<compile_context>
chip_gen: v7x
topology: tpu7x:2x2x1
jax: 0.10.2.dev20260603
libtpu: 0.0.44.dev20260713+nightly
codegen_flags: <defaults>
</compile_context>

<pallas_src>
import functools

import jax
import jax.numpy as jnp
from jax import lax
from jax.experimental import pallas as pl
from jax.experimental.pallas import tpu as pltpu
from jax.experimental.pallas import tpu_sc as plsc

N_ROWS = 262144
N_COLS = 128
N_WORKERS = 32
ROWS_PER_W = N_ROWS // N_WORKERS
CHUNK = 128
N_CHUNKS = ROWS_PER_W // CHUNK
LANES = 16
SEGS = N_COLS // LANES
CELEMS = CHUNK * N_COLS
NBUF = 3

_mesh = plsc.VectorSubcoreMesh(core_axis_name="c", subcore_axis_name="s")


@functools.partial(
    pl.kernel,
    mesh=_mesh,
    out_type=jax.ShapeDtypeStruct((N_ROWS * N_COLS,), jnp.float32),
    scratch_types=[
        pltpu.VMEM((CELEMS,), jnp.float32),
        pltpu.VMEM((CELEMS,), jnp.float32),
        pltpu.VMEM((CELEMS,), jnp.float32),
        pltpu.VMEM((CELEMS,), jnp.float32),
        pltpu.VMEM((CELEMS,), jnp.float32),
        pltpu.VMEM((CELEMS,), jnp.float32),
        pltpu.SemaphoreType.DMA,
        pltpu.SemaphoreType.DMA,
        pltpu.SemaphoreType.DMA,
        pltpu.SemaphoreType.DMA,
        pltpu.SemaphoreType.DMA,
        pltpu.SemaphoreType.DMA,
    ],
    compiler_params=pltpu.CompilerParams(needs_layout_passes=False),
)
def _sc_kernel(x_hbm, out_hbm, ib0, ib1, ib2, ob0, ob1, ob2,
               is0, is1, is2, os0, os1, os2):
    wid = lax.axis_index("c") * 16 + lax.axis_index("s")
    base_elem = wid * ROWS_PER_W * N_COLS
    ibufs = (ib0, ib1, ib2)
    obufs = (ob0, ob1, ob2)
    isems = (is0, is1, is2)
    osems = (os0, os1, os2)

    def start_in(ci, par):
        pltpu.async_copy(
            x_hbm.at[pl.ds(base_elem + ci * CELEMS, CELEMS)],
            ibufs[par], isems[par])

    def wait_in(par):
        pltpu.make_async_copy(
            x_hbm.at[pl.ds(base_elem, CELEMS)], ibufs[par],
            isems[par]).wait()

    def start_out(ci, par):
        pltpu.async_copy(
            obufs[par],
            out_hbm.at[pl.ds(base_elem + ci * CELEMS, CELEMS)], osems[par])

    def wait_out(par):
        pltpu.make_async_copy(
            obufs[par], out_hbm.at[pl.ds(base_elem, CELEMS)],
            osems[par]).wait()

    def compute(par):
        ibuf = ibufs[par]
        obuf = obufs[par]

        @plsc.parallel_loop(0, CHUNK, unroll=3)
        def row_body(r):
            rbase = r * N_COLS
            vs = [ibuf[pl.ds(rbase + j * LANES, LANES)] for j in range(SEGS)]
            s01 = vs[0] + vs[1]
            s23 = vs[2] + vs[3]
            s45 = vs[4] + vs[5]
            s67 = vs[6] + vs[7]
            s = (s01 + s23) + (s45 + s67)
            total = jnp.sum(s)
            d = jnp.where(total * 2.0 > 10.0,
                          jnp.float32(1.0), jnp.float32(0.0))
            for j in range(SEGS):
                obuf[pl.ds(rbase + j * LANES, LANES)] = vs[j] * 2.0 - d

    start_in(0, 0)
    start_in(1, 1)
    start_in(2, 2)

    def outer_body(go, _):
        for par in range(NBUF):
            ci = go * NBUF + par
            wait_in(par)

            @pl.when(ci >= NBUF)
            def _():
                wait_out(par)

            compute(par)
            start_out(ci, par)

            @pl.when(ci < N_CHUNKS - NBUF)
            def _():
                start_in(ci + NBUF, par)

        return 0

    lax.fori_loop(0, (N_CHUNKS - 1) // NBUF, outer_body, 0)

    wait_in(0)
    wait_out(0)
    compute(0)
    start_out(N_CHUNKS - 1, 0)
    wait_out(1)
    wait_out(2)
    wait_out(0)


def kernel(x):
    out_flat = _sc_kernel(x.reshape(-1))
    return out_flat.reshape(N_ROWS, N_COLS)

# --- scband reference (transcript-rebuilt; emitter-appended) ---
"""Pipeline reference for scband-pt-module-76166950027878 (READ-ONLY COPY).

The authoritative reference and input builder live on the scoring server;
editing this copy changes nothing except your own understanding.
"""

import jax, jax.numpy as jnp
import numpy as np

def setup_inputs(seed: int = 0) -> dict:
    key = jax.random.key(seed)
    x = jax.random.normal(key, (262144, 128), dtype=jnp.float32)
    return {"x": x}

def reference(x):
    # Original torch loop: for each row i, x[i] = x[i]*2; if x[i].sum() > 10: x[i] = x[i]-1
    # Vectorized faithful translation: the condition is evaluated on the doubled row.
    x2 = x * 2.0
    row_sums = jnp.sum(x2, axis=1)
    mask = row_sums > 10.0
    out = jnp.where(mask[:, None], x2 - 1.0, x2)
    return out

if __name__ == "__main__":
    import jax
    _d = setup_inputs()
    print(jax.jit(kernel)(*tuple(_d.values())))

</pallas_src>

<mosaic_0001>
#map = affine_map<(d0, d1) -> (0)>
module attributes {stable_mosaic.version = 14 : i64} {
  func.func @_sc_kernel(%arg0: i32, %arg1: i32, %arg2: memref<33554432xf32, #tpu.memory_space<hbm>>, %arg3: memref<33554432xf32, #tpu.memory_space<hbm>>, %arg4: memref<16384xf32, #tpu.memory_space<vmem>>, %arg5: memref<16384xf32, #tpu.memory_space<vmem>>, %arg6: memref<16384xf32, #tpu.memory_space<vmem>>, %arg7: memref<16384xf32, #tpu.memory_space<vmem>>, %arg8: memref<16384xf32, #tpu.memory_space<vmem>>, %arg9: memref<16384xf32, #tpu.memory_space<vmem>>, %arg10: memref<!tpu.dma_semaphore, #tpu.memory_space<semaphore_mem>>, %arg11: memref<!tpu.dma_semaphore, #tpu.memory_space<semaphore_mem>>, %arg12: memref<!tpu.dma_semaphore, #tpu.memory_space<semaphore_mem>>, %arg13: memref<!tpu.dma_semaphore, #tpu.memory_space<semaphore_mem>>, %arg14: memref<!tpu.dma_semaphore, #tpu.memory_space<semaphore_mem>>, %arg15: memref<!tpu.dma_semaphore, #tpu.memory_space<semaphore_mem>>) attributes {dimension_semantics = [#tpu.dimension_semantics<core_parallel>, #tpu.dimension_semantics<subcore_parallel>], iteration_bounds = array<i64: 2, 16>, scalar_prefetch = 0 : i64, scratch_operands = 12 : i64, tpu.core_type = #tpu.core_type<sc_vector_subcore>, window_params = [{transform_indices = #map}, {transform_indices = #map}]} {
    %mul3A = arith.constant 16 : i32
    %mul3A_0 = arith.muli %arg0, %mul3A : i32
    %add3A = arith.addi %mul3A_0, %arg1 : i32
    %mul3A_1 = arith.constant 8192 : i32
    %mul3A_2 = arith.muli %add3A, %mul3A_1 : i32
    %mul3A_3 = arith.constant 128 : i32
    %mul3A_4 = arith.muli %mul3A_2, %mul3A_3 : i32
    %add3A_5 = arith.constant 0 : i32
    %add3A_6 = arith.addi %mul3A_4, %add3A_5 : i32
    %dma_start3A = tpu.memref_slice %arg2[%add3A_6] : memref<33554432xf32, #tpu.memory_space<hbm>> -> memref<16384xf32, #tpu.memory_space<hbm>>
    %dma_start3A_7 = tpu.memref_slice %arg2[%add3A_6] : memref<33554432xf32, #tpu.memory_space<hbm>> -> memref<16384xf32, #tpu.memory_space<hbm>>
    tpu.enqueue_dma source(%dma_start3A_7 : memref<16384xf32, #tpu.memory_space<hbm>>) target(%arg4 : memref<16384xf32, #tpu.memory_space<vmem>>) target_semaphore(%arg10 : memref<!tpu.dma_semaphore, #tpu.memory_space<semaphore_mem>>)
    %add3A_8 = arith.constant 16384 : i32
    %add3A_9 = arith.addi %mul3A_4, %add3A_8 : i32
    %dma_start3A_10 = tpu.memref_slice %arg2[%add3A_9] : memref<33554432xf32, #tpu.memory_space<hbm>> -> memref<16384xf32, #tpu.memory_space<hbm>>
    %dma_start3A_11 = tpu.memref_slice %arg2[%add3A_9] : memref<33554432xf32, #tpu.memory_space<hbm>> -> memref<16384xf32, #tpu.memory_space<hbm>>
    tpu.enqueue_dma source(%dma_start3A_11 : memref<16384xf32, #tpu.memory_space<hbm>>) target(%arg5 : memref<16384xf32, #tpu.memory_space<vmem>>) target_semaphore(%arg11 : memref<!tpu.dma_semaphore, #tpu.memory_space<semaphore_mem>>)
    %add3A_12 = arith.constant 32768 : i32
    %add3A_13 = arith.addi %mul3A_4, %add3A_12 : i32
    %dma_start3A_14 = tpu.memref_slice %arg2[%add3A_13] : memref<33554432xf32, #tpu.memory_space<hbm>> -> memref<16384xf32, #tpu.memory_space<hbm>>
    %dma_start3A_15 = tpu.memref_slice %arg2[%add3A_13] : memref<33554432xf32, #tpu.memory_space<hbm>> -> memref<16384xf32, #tpu.memory_space<hbm>>
    tpu.enqueue_dma source(%dma_start3A_15 : memref<16384xf32, #tpu.memory_space<hbm>>) target(%arg6 : memref<16384xf32, #tpu.memory_space<vmem>>) target_semaphore(%arg12 : memref<!tpu.dma_semaphore, #tpu.memory_space<semaphore_mem>>)
    %scan3A = arith.constant 0 : i32
    %scan3A_16 = arith.constant 0 : i32
    %scan3A_17 = arith.constant 21 : i32
    %scan3A_18 = arith.addi %scan3A_16, %scan3A_17 : i32
    %scan3A_19 = arith.constant 1 : i32
    %scan3A_20 = scf.for %scan3A_37 = %scan3A_16 to %scan3A_18 step %scan3A_19 iter_args(%scan3A_38 = %scan3A) -> (i32)  : i32 {
      %mul3A_39 = arith.constant 3 : i32
      %mul3A_40 = arith.muli %scan3A_37, %mul3A_39 : i32
      %add3A_41 = arith.constant 0 : i32
      %add3A_42 = arith.addi %mul3A_40, %add3A_41 : i32
      %dma_wait3A_43 = tpu.memref_slice %arg2[%mul3A_4] : memref<33554432xf32, #tpu.memory_space<hbm>> -> memref<16384xf32, #tpu.memory_space<hbm>>
      %dma_wait3A_44 = tpu.memref_slice %arg2[%mul3A_4] : memref<33554432xf32, #tpu.memory_space<hbm>> -> memref<16384xf32, #tpu.memory_space<hbm>>
      tpu.wait_dma2 semaphore(%arg10 : memref<!tpu.dma_semaphore, #tpu.memory_space<semaphore_mem>>) src(%dma_wait3A_44 : memref<16384xf32, #tpu.memory_space<hbm>>) dst(%arg4 : memref<16384xf32, #tpu.memory_space<vmem>>)
      %ge3A = arith.constant 3 : i32
      %ge3A_45 = arith.cmpi sge, %add3A_42, %ge3A : i32
      %convert_element_type3A = arith.extui %ge3A_45 : i1 to i32
      %cond3A = arith.constant 0 : i32
      %cond3A_46 = arith.cmpi ne, %convert_element_type3A, %cond3A : i32
      scf.if %cond3A_46 {
        %dma_wait3A_108 = tpu.memref_slice %arg3[%mul3A_4] : memref<33554432xf32, #tpu.memory_space<hbm>> -> memref<16384xf32, #tpu.memory_space<hbm>>
        %dma_wait3A_109 = tpu.memref_slice %arg3[%mul3A_4] : memref<33554432xf32, #tpu.memory_space<hbm>> -> memref<16384xf32, #tpu.memory_space<hbm>>
        tpu.wait_dma2 semaphore(%arg13 : memref<!tpu.dma_semaphore, #tpu.memory_space<semaphore_mem>>) src(%arg7 : memref<16384xf32, #tpu.memory_space<vmem>>) dst(%dma_wait3A_109 : memref<16384xf32, #tpu.memory_space<hbm>>)
      } else {
      }
      %parallel_loop3A_47 = arith.constant 0 : i32
      %parallel_loop3A_48 = arith.constant 128 : i32
      %parallel_loop3A_49 = arith.constant 1 : i32
      scf.for %parallel_loop3A_108 = %parallel_loop3A_47 to %parallel_loop3A_48 step %parallel_loop3A_49  : i32 {
        %parallel_loop3A_109 = arith.constant 128 : i32
        %parallel_loop3A_110 = arith.muli %parallel_loop3A_108, %parallel_loop3A_109 : i32
        %parallel_loop3A_111 = arith.constant 0 : i32
        %parallel_loop3A_112 = arith.addi %parallel_loop3A_110, %parallel_loop3A_111 : i32
        %parallel_loop3A_113 = arith.index_cast %parallel_loop3A_112 : i32 to index
        %parallel_loop3A_114 = tpu.vector_load %arg4[%parallel_loop3A_113] {strides = array<i32>} : memref<16384xf32, #tpu.memory_space<vmem>>, vector<16xf32>,
        %parallel_loop3A_115 = arith.constant 16 : i32
        %parallel_loop3A_116 = arith.addi %parallel_loop3A_110, %parallel_loop3A_115 : i32
        %parallel_loop3A_117 = arith.index_cast %parallel_loop3A_116 : i32 to index
        %parallel_loop3A_118 = tpu.vector_load %arg4[%parallel_loop3A_117] {strides = array<i32>} : memref<16384xf32, #tpu.memory_space<vmem>>, vector<16xf32>,
        %parallel_loop3A_119 = arith.constant 32 : i32
        %parallel_loop3A_120 = arith.addi %parallel_loop3A_110, %parallel_loop3A_119 : i32
        %parallel_loop3A_121 = arith.index_cast %parallel_loop3A_120 : i32 to index
        %parallel_loop3A_122 = tpu.vector_load %arg4[%parallel_loop3A_121] {strides = array<i32>} : memref<16384xf32, #tpu.memory_space<vmem>>, vector<16xf32>,
        %parallel_loop3A_123 = arith.constant 48 : i32
        %parallel_loop3A_124 = arith.addi %parallel_loop3A_110, %parallel_loop3A_123 : i32
        %parallel_loop3A_125 = arith.index_cast %parallel_loop3A_124 : i32 to index
        %parallel_loop3A_126 = tpu.vector_load %arg4[%parallel_loop3A_125] {strides = array<i32>} : memref<16384xf32, #tpu.memory_space<vmem>>, vector<16xf32>,
        %parallel_loop3A_127 = arith.constant 64 : i32
        %parallel_loop3A_128 = arith.addi %parallel_loop3A_110, %parallel_loop3A_127 : i32
        %parallel_loop3A_129 = arith.index_cast %parallel_loop3A_128 : i32 to index
        %parallel_loop3A_130 = tpu.vector_load %arg4[%parallel_loop3A_129] {strides = array<i32>} : memref<16384xf32, #tpu.memory_space<vmem>>, vector<16xf32>,
        %parallel_loop3A_131 = arith.constant 80 : i32
        %parallel_loop3A_132 = arith.addi %parallel_loop3A_110, %parallel_loop3A_131 : i32
        %parallel_loop3A_133 = arith.index_cast %parallel_loop3A_132 : i32 to index
        %parallel_loop3A_134 = tpu.vector_load %arg4[%parallel_loop3A_133] {strides = array<i32>} : memref<16384xf32, #tpu.memory_space<vmem>>, vector<16xf32>,
        %parallel_loop3A_135 = arith.constant 96 : i32
        %parallel_loop3A_136 = arith.addi %parallel_loop3A_110, %parallel_loop3A_135 : i32
        %parallel_loop3A_137 = arith.index_cast %parallel_loop3A_136 : i32 to index
        %parallel_loop3A_138 = tpu.vector_load %arg4[%parallel_loop3A_137] {strides = array<i32>} : memref<16384xf32, #tpu.memory_space<vmem>>, vector<16xf32>,
        %parallel_loop3A_139 = arith.constant 112 : i32
        %parallel_loop3A_140 = arith.addi %parallel_loop3A_110, %parallel_loop3A_139 : i32
        %parallel_loop3A_141 = arith.index_cast %parallel_loop3A_140 : i32 to index
        %parallel_loop3A_142 = tpu.vector_load %arg4[%parallel_loop3A_141] {strides = array<i32>} : memref<16384xf32, #tpu.memory_space<vmem>>, vector<16xf32>,
        %parallel_loop3A_143 = arith.addf %parallel_loop3A_114, %parallel_loop3A_118 : vector<16xf32>
        %parallel_loop3A_144 = arith.addf %parallel_loop3A_122, %parallel_loop3A_126 : vector<16xf32>
        %parallel_loop3A_145 = arith.addf %parallel_loop3A_130, %parallel_loop3A_134 : vector<16xf32>
        %parallel_loop3A_146 = arith.addf %parallel_loop3A_138, %parallel_loop3A_142 : vector<16xf32>
        %parallel_loop3A_147 = arith.addf %parallel_loop3A_143, %parallel_loop3A_144 : vector<16xf32>
        %parallel_loop3A_148 = arith.addf %parallel_loop3A_145, %parallel_loop3A_146 : vector<16xf32>
        %parallel_loop3A_149 = arith.addf %parallel_loop3A_147, %parallel_loop3A_148 : vector<16xf32>
        %parallel_loop3A_150 = arith.constant true
        %parallel_loop3A_151 = vector.broadcast %parallel_loop3A_150 : i1 to vector<16xi1>
        %parallel_loop3A_152 = tpu.scan <sum>, %parallel_loop3A_149 masked %parallel_loop3A_151 : vector<16xf32>, vector<16xi1> -> vector<16xf32>
        %parallel_loop3A_153 = vector.extract %parallel_loop3A_152[15] : f32 from vector<16xf32>
        %parallel_loop3A_154 = arith.constant 2.000000e+00 : f32
        %parallel_loop3A_155 = arith.mulf %parallel_loop3A_153, %parallel_loop3A_154 : f32
        %parallel_loop3A_156 = arith.constant 1.000000e+01 : f32
        %parallel_loop3A_157 = arith.cmpf ogt, %parallel_loop3A_155, %parallel_loop3A_156 : f32
        %parallel_loop3A_158 = arith.constant 1.000000e+00 : f32
        %parallel_loop3A_159 = arith.constant 0.000000e+00 : f32
        %parallel_loop3A_160 = arith.select %parallel_loop3A_157, %parallel_loop3A_158, %parallel_loop3A_159 : f32
        %parallel_loop3A_161 = arith.constant 2.000000e+00 : f32
        %parallel_loop3A_162 = vector.broadcast %parallel_loop3A_161 : f32 to vector<16xf32>
        %parallel_loop3A_163 = arith.mulf %parallel_loop3A_114, %parallel_loop3A_162 : vector<16xf32>
        %parallel_loop3A_164 = vector.broadcast %parallel_loop3A_160 : f32 to vector<16xf32>
        %parallel_loop3A_165 = arith.subf %parallel_loop3A_163, %parallel_loop3A_164 : vector<16xf32>
        %parallel_loop3A_166 = arith.constant 0 : i32
        %parallel_loop3A_167 = arith.addi %parallel_loop3A_110, %parallel_loop3A_166 : i32
        %parallel_loop3A_168 = arith.index_cast %parallel_loop3A_167 : i32 to index
        %parallel_loop3A_169 = tpu.vector_load %arg7[%parallel_loop3A_168] {strides = array<i32>} : memref<16384xf32, #tpu.memory_space<vmem>>, vector<16xf32>,
        tpu.vector_store %arg7[%parallel_loop3A_168], %parallel_loop3A_165 {strides = array<i32>} : memref<16384xf32, #tpu.memory_space<vmem>>, vector<16xf32>,
        %parallel_loop3A_170 = arith.constant 2.000000e+00 : f32
        %parallel_loop3A_171 = vector.broadcast %parallel_loop3A_170 : f32 to vector<16xf32>
        %parallel_loop3A_172 = arith.mulf %parallel_loop3A_118, %parallel_loop3A_171 : vector<16xf32>
        %parallel_loop3A_173 = vector.broadcast %parallel_loop3A_160 : f32 to vector<16xf32>
        %parallel_loop3A_174 = arith.subf %parallel_loop3A_172, %parallel_loop3A_173 : vector<16xf32>
        %parallel_loop3A_175 = arith.constant 16 : i32
        %parallel_loop3A_176 = arith.addi %parallel_loop3A_110, %parallel_loop3A_175 : i32
        %parallel_loop3A_177 = arith.index_cast %parallel_loop3A_176 : i32 to index
        %parallel_loop3A_178 = tpu.vector_load %arg7[%parallel_loop3A_177] {strides = array<i32>} : memref<16384xf32, #tpu.memory_space<vmem>>, vector<16xf32>,
        tpu.vector_store %arg7[%parallel_loop3A_177], %parallel_loop3A_174 {strides = array<i32>} : memref<16384xf32, #tpu.memory_space<vmem>>, vector<16xf32>,
        %parallel_loop3A_179 = arith.constant 2.000000e+00 : f32
        %parallel_loop3A_180 = vector.broadcast %parallel_loop3A_179 : f32 to vector<16xf32>
        %parallel_loop3A_181 = arith.mulf %parallel_loop3A_122, %parallel_loop3A_180 : vector<16xf32>
        %parallel_loop3A_182 = vector.broadcast %parallel_loop3A_160 : f32 to vector<16xf32>
        %parallel_loop3A_183 = arith.subf %parallel_loop3A_181, %parallel_loop3A_182 : vector<16xf32>
        %parallel_loop3A_184 = arith.constant 32 : i32
        %parallel_loop3A_185 = arith.addi %parallel_loop3A_110, %parallel_loop3A_184 : i32
        %parallel_loop3A_186 = arith.index_cast %parallel_loop3A_185 : i32 to index
        %parallel_loop3A_187 = tpu.vector_load %arg7[%parallel_loop3A_186] {strides = array<i32>} : memref<16384xf32, #tpu.memory_space<vmem>>, vector<16xf32>,
        tpu.vector_store %arg7[%parallel_loop3A_186], %parallel_loop3A_183 {strides = array<i32>} : memref<16384xf32, #tpu.memory_space<vmem>>, vector<16xf32>,
        %parallel_loop3A_188 = arith.constant 2.000000e+00 : f32
        %parallel_loop3A_189 = vector.broadcast %parallel_loop3A_188 : f32 to vector<16xf32>
        %parallel_loop3A_190 = arith.mulf %parallel_loop3A_126, %parallel_loop3A_189 : vector<16xf32>
        %parallel_loop3A_191 = vector.broadcast %parallel_loop3A_160 : f32 to vector<16xf32>
        %parallel_loop3A_192 = arith.subf %parallel_loop3A_190, %parallel_loop3A_191 : vector<16xf32>
        %parallel_loop3A_193 = arith.constant 48 : i32
        %parallel_loop3A_194 = arith.addi %parallel_loop3A_110, %parallel_loop3A_193 : i32
        %parallel_loop3A_195 = arith.index_cast %parallel_loop3A_194 : i32 to index
        %parallel_loop3A_196 = tpu.vector_load %arg7[%parallel_loop3A_195] {strides = array<i32>} : memref<16384xf32, #tpu.memory_space<vmem>>, vector<16xf32>,
        tpu.vector_store %arg7[%parallel_loop3A_195], %parallel_loop3A_192 {strides = array<i32>} : memref<16384xf32, #tpu.memory_space<vmem>>, vector<16xf32>,
        %parallel_loop3A_197 = arith.constant 2.000000e+00 : f32
        %parallel_loop3A_198 = vector.broadcast %parallel_loop3A_197 : f32 to vector<16xf32>
        %parallel_loop3A_199 = arith.mulf %parallel_loop3A_130, %parallel_loop3A_198 : vector<16xf32>
        %parallel_loop3A_200 = vector.broadcast %parallel_loop3A_160 : f32 to vector<16xf32>
        %parallel_loop3A_201 = arith.subf %parallel_loop3A_199, %parallel_loop3A_200 : vector<16xf32>
        %parallel_loop3A_202 = arith.constant 64 : i32
        %parallel_loop3A_203 = arith.addi %parallel_loop3A_110, %parallel_loop3A_202 : i32
        %parallel_loop3A_204 = arith.index_cast %parallel_loop3A_203 : i32 to index
        %parallel_loop3A_205 = tpu.vector_load %arg7[%parallel_loop3A_204] {strides = array<i32>} : memref<16384xf32, #tpu.memory_space<vmem>>, vector<16xf32>,
        tpu.vector_store %arg7[%parallel_loop3A_204], %parallel_loop3A_201 {strides = array<i32>} : memref<16384xf32, #tpu.memory_space<vmem>>, vector<16xf32>,
        %parallel_loop3A_206 = arith.constant 2.000000e+00 : f32
        %parallel_loop3A_207 = vector.broadcast %parallel_loop3A_206 : f32 to vector<16xf32>
        %parallel_loop3A_208 = arith.mulf %parallel_loop3A_134, %parallel_loop3A_207 : vector<16xf32>
        %parallel_loop3A_209 = vector.broadcast %parallel_loop3A_160 : f32 to vector<16xf32>
        %parallel_loop3A_210 = arith.subf %parallel_loop3A_208, %parallel_loop3A_209 : vector<16xf32>
        %parallel_loop3A_211 = arith.constant 80 : i32
        %parallel_loop3A_212 = arith.addi %parallel_loop3A_110, %parallel_loop3A_211 : i32
        %parallel_loop3A_213 = arith.index_cast %parallel_loop3A_212 : i32 to index
        %parallel_loop3A_214 = tpu.vector_load %arg7[%parallel_loop3A_213] {strides = array<i32>} : memref<16384xf32, #tpu.memory_space<vmem>>, vector<16xf32>,
        tpu.vector_store %arg7[%parallel_loop3A_213], %parallel_loop3A_210 {strides = array<i32>} : memref<16384xf32, #tpu.memory_space<vmem>>, vector<16xf32>,
        %parallel_loop3A_215 = arith.constant 2.000000e+00 : f32
        %parallel_loop3A_216 = vector.broadcast %parallel_loop3A_215 : f32 to vector<16xf32>
        %parallel_loop3A_217 = arith.mulf %parallel_loop3A_138, %parallel_loop3A_216 : vector<16xf32>
        %parallel_loop3A_218 = vector.broadcast %parallel_loop3A_160 : f32 to vector<16xf32>
        %parallel_loop3A_219 = arith.subf %parallel_loop3A_217, %parallel_loop3A_218 : vector<16xf32>
        %parallel_loop3A_220 = arith.constant 96 : i32
        %parallel_loop3A_221 = arith.addi %parallel_loop3A_110, %parallel_loop3A_220 : i32
        %parallel_loop3A_222 = arith.index_cast %parallel_loop3A_221 : i32 to index
        %parallel_loop3A_223 = tpu.vector_load %arg7[%parallel_loop3A_222] {strides = array<i32>} : memref<16384xf32, #tpu.memory_space<vmem>>, vector<16xf32>,
        tpu.vector_store %arg7[%parallel_loop3A_222], %parallel_loop3A_219 {strides = array<i32>} : memref<16384xf32, #tpu.memory_space<vmem>>, vector<16xf32>,
        %parallel_loop3A_224 = arith.constant 2.000000e+00 : f32
        %parallel_loop3A_225 = vector.broadcast %parallel_loop3A_224 : f32 to vector<16xf32>
        %parallel_loop3A_226 = arith.mulf %parallel_loop3A_142, %parallel_loop3A_225 : vector<16xf32>
        %parallel_loop3A_227 = vector.broadcast %parallel_loop3A_160 : f32 to vector<16xf32>
        %parallel_loop3A_228 = arith.subf %parallel_loop3A_226, %parallel_loop3A_227 : vector<16xf32>
        %parallel_loop3A_229 = arith.constant 112 : i32
        %parallel_loop3A_230 = arith.addi %parallel_loop3A_110, %parallel_loop3A_229 : i32
        %parallel_loop3A_231 = arith.index_cast %parallel_loop3A_230 : i32 to index
        %parallel_loop3A_232 = tpu.vector_load %arg7[%parallel_loop3A_231] {strides = array<i32>} : memref<16384xf32, #tpu.memory_space<vmem>>, vector<16xf32>,
        tpu.vector_store %arg7[%parallel_loop3A_231], %parallel_loop3A_228 {strides = array<i32>} : memref<16384xf32, #tpu.memory_space<vmem>>, vector<16xf32>,
      } {sc.loop_unroll_factor = 3 : i64, sc.parallel_access}
      %mul3A_50 = arith.constant 16384 : i32
      %mul3A_51 = arith.muli %add3A_42, %mul3A_50 : i32
      %add3A_52 = arith.addi %mul3A_4, %mul3A_51 : i32
      %dma_start3A_53 = tpu.memref_slice %arg3[%add3A_52] : memref<33554432xf32, #tpu.memory_space<hbm>> -> memref<16384xf32, #tpu.memory_space<hbm>>
      %dma_start3A_54 = tpu.memref_slice %arg3[%add3A_52] : memref<33554432xf32, #tpu.memory_space<hbm>> -> memref<16384xf32, #tpu.memory_space<hbm>>
      tpu.enqueue_dma source(%arg7 : memref<16384xf32, #tpu.memory_space<vmem>>) target(%dma_start3A_54 : memref<16384xf32, #tpu.memory_space<hbm>>) target_semaphore(%arg13 : memref<!tpu.dma_semaphore, #tpu.memory_space<semaphore_mem>>)
      %lt3A = arith.constant 61 : i32
      %lt3A_55 = arith.cmpi slt, %add3A_42, %lt3A : i32
      %convert_element_type3A_56 = arith.extui %lt3A_55 : i1 to i32
      %cond3A_57 = arith.constant 0 : i32
      %cond3A_58 = arith.cmpi ne, %convert_element_type3A_56, %cond3A_57 : i32
      scf.if %cond3A_58 {
        %add3A_108 = arith.constant 3 : i32
        %add3A_109 = arith.addi %add3A_42, %add3A_108 : i32
        %mul3A_110 = arith.constant 16384 : i32
        %mul3A_111 = arith.muli %add3A_109, %mul3A_110 : i32
        %add3A_112 = arith.addi %mul3A_4, %mul3A_111 : i32
        %dma_start3A_113 = tpu.memref_slice %arg2[%add3A_112] : memref<33554432xf32, #tpu.memory_space<hbm>> -> memref<16384xf32, #tpu.memory_space<hbm>>
        %dma_start3A_114 = tpu.memref_slice %arg2[%add3A_112] : memref<33554432xf32, #tpu.memory_space<hbm>> -> memref<16384xf32, #tpu.memory_space<hbm>>
        tpu.enqueue_dma source(%dma_start3A_114 : memref<16384xf32, #tpu.memory_space<hbm>>) target(%arg4 : memref<16384xf32, #tpu.memory_space<vmem>>) target_semaphore(%arg10 : memref<!tpu.dma_semaphore, #tpu.memory_space<semaphore_mem>>)
      } else {
      }
      %mul3A_59 = arith.constant 3 : i32
      %mul3A_60 = arith.muli %scan3A_37, %mul3A_59 : i32
      %add3A_61 = arith.constant 1 : i32
      %add3A_62 = arith.addi %mul3A_60, %add3A_61 : i32
      %dma_wait3A_63 = tpu.memref_slice %arg2[%mul3A_4] : memref<33554432xf32, #tpu.memory_space<hbm>> -> memref<16384xf32, #tpu.memory_space<hbm>>
      %dma_wait3A_64 = tpu.memref_slice %arg2[%mul3A_4] : memref<33554432xf32, #tpu.memory_space<hbm>> -> memref<16384xf32, #tpu.memory_space<hbm>>
      tpu.wait_dma2 semaphore(%arg11 : memref<!tpu.dma_semaphore, #tpu.memory_space<semaphore_mem>>) src(%dma_wait3A_64 : memref<16384xf32, #tpu.memory_space<hbm>>) dst(%arg5 : memref<16384xf32, #tpu.memory_space<vmem>>)
      %ge3A_65 = arith.constant 3 : i32
      %ge3A_66 = arith.cmpi sge, %add3A_62, %ge3A_65 : i32
      %convert_element_type3A_67 = arith.extui %ge3A_66 : i1 to i32
      %cond3A_68 = arith.constant 0 : i32
      %cond3A_69 = arith.cmpi ne, %convert_element_type3A_67, %cond3A_68 : i32
      scf.if %cond3A_69 {
        %dma_wait3A_108 = tpu.memref_slice %arg3[%mul3A_4] : memref<33554432xf32, #tpu.memory_space<hbm>> -> memref<16384xf32, #tpu.memory_space<hbm>>
        %dma_wait3A_109 = tpu.memref_slice %arg3[%mul3A_4] : memref<33554432xf32, #tpu.memory_space<hbm>> -> memref<16384xf32, #tpu.memory_space<hbm>>
        tpu.wait_dma2 semaphore(%arg14 : memref<!tpu.dma_semaphore, #tpu.memory_space<semaphore_mem>>) src(%arg8 : memref<16384xf32, #tpu.memory_space<vmem>>) dst(%dma_wait3A_109 : memref<16384xf32, #tpu.memory_space<hbm>>)
      } else {
      }
      %parallel_loop3A_70 = arith.constant 0 : i32
      %parallel_loop3A_71 = arith.constant 128 : i32
      %parallel_loop3A_72 = arith.constant 1 : i32
      scf.for %parallel_loop3A_108 = %parallel_loop3A_70 to %parallel_loop3A_71 step %parallel_loop3A_72  : i32 {
        %parallel_loop3A_109 = arith.constant 128 : i32
        %parallel_loop3A_110 = arith.muli %parallel_loop3A_108, %parallel_loop3A_109 : i32
        %parallel_loop3A_111 = arith.constant 0 : i32
        %parallel_loop3A_112 = arith.addi %parallel_loop3A_110, %parallel_loop3A_111 : i32
        %parallel_loop3A_113 = arith.index_cast %parallel_loop3A_112 : i32 to index
        %parallel_loop3A_114 = tpu.vector_load %arg5[%parallel_loop3A_113] {strides = array<i32>} : memref<16384xf32, #tpu.memory_space<vmem>>, vector<16xf32>,
        %parallel_loop3A_115 = arith.constant 16 : i32
        %parallel_loop3A_116 = arith.addi %parallel_loop3A_110, %parallel_loop3A_115 : i32
        %parallel_loop3A_117 = arith.index_cast %parallel_loop3A_116 : i32 to index
        %parallel_loop3A_118 = tpu.vector_load %arg5[%parallel_loop3A_117] {strides = array<i32>} : memref<16384xf32, #tpu.memory_space<vmem>>, vector<16xf32>,
        %parallel_loop3A_119 = arith.constant 32 : i32
        %parallel_loop3A_120 = arith.addi %parallel_loop3A_110, %parallel_loop3A_119 : i32
        %parallel_loop3A_121 = arith.index_cast %parallel_loop3A_120 : i32 to index
        %parallel_loop3A_122 = tpu.vector_load %arg5[%parallel_loop3A_121] {strides = array<i32>} : memref<16384xf32, #tpu.memory_space<vmem>>, vector<16xf32>,
        %parallel_loop3A_123 = arith.constant 48 : i32
        %parallel_loop3A_124 = arith.addi %parallel_loop3A_110, %parallel_loop3A_123 : i32
        %parallel_loop3A_125 = arith.index_cast %parallel_loop3A_124 : i32 to index
        %parallel_loop3A_126 = tpu.vector_load %arg5[%parallel_loop3A_125] {strides = array<i32>} : memref<16384xf32, #tpu.memory_space<vmem>>, vector<16xf32>,
        %parallel_loop3A_127 = arith.constant 64 : i32
        %parallel_loop3A_128 = arith.addi %parallel_loop3A_110, %parallel_loop3A_127 : i32
        %parallel_loop3A_129 = arith.index_cast %parallel_loop3A_128 : i32 to index
        %parallel_loop3A_130 = tpu.vector_load %arg5[%parallel_loop3A_129] {strides = array<i32>} : memref<16384xf32, #tpu.memory_space<vmem>>, vector<16xf32>,
        %parallel_loop3A_131 = arith.constant 80 : i32
        %parallel_loop3A_132 = arith.addi %parallel_loop3A_110, %parallel_loop3A_131 : i32
        %parallel_loop3A_133 = arith.index_cast %parallel_loop3A_132 : i32 to index
        %parallel_loop3A_134 = tpu.vector_load %arg5[%parallel_loop3A_133] {strides = array<i32>} : memref<16384xf32, #tpu.memory_space<vmem>>, vector<16xf32>,
        %parallel_loop3A_135 = arith.constant 96 : i32
        %parallel_loop3A_136 = arith.addi %parallel_loop3A_110, %parallel_loop3A_135 : i32
        %parallel_loop3A_137 = arith.index_cast %parallel_loop3A_136 : i32 to index
        %parallel_loop3A_138 = tpu.vector_load %arg5[%parallel_loop3A_137] {strides = array<i32>} : memref<16384xf32, #tpu.memory_space<vmem>>, vector<16xf32>,
        %parallel_loop3A_139 = arith.constant 112 : i32
        %parallel_loop3A_140 = arith.addi %parallel_loop3A_110, %parallel_loop3A_139 : i32
        %parallel_loop3A_141 = arith.index_cast %parallel_loop3A_140 : i32 to index
        %parallel_loop3A_142 = tpu.vector_load %arg5[%parallel_loop3A_141] {strides = array<i32>} : memref<16384xf32, #tpu.memory_space<vmem>>, vector<16xf32>,
        %parallel_loop3A_143 = arith.addf %parallel_loop3A_114, %parallel_loop3A_118 : vector<16xf32>
        %parallel_loop3A_144 = arith.addf %parallel_loop3A_122, %parallel_loop3A_126 : vector<16xf32>
        %parallel_loop3A_145 = arith.addf %parallel_loop3A_130, %parallel_loop3A_134 : vector<16xf32>
        %parallel_loop3A_146 = arith.addf %parallel_loop3A_138, %parallel_loop3A_142 : vector<16xf32>
        %parallel_loop3A_147 = arith.addf %parallel_loop3A_143, %parallel_loop3A_144 : vector<16xf32>
        %parallel_loop3A_148 = arith.addf %parallel_loop3A_145, %parallel_loop3A_146 : vector<16xf32>
        %parallel_loop3A_149 = arith.addf %parallel_loop3A_147, %parallel_loop3A_148 : vector<16xf32>
        %parallel_loop3A_150 = arith.constant true
        %parallel_loop3A_151 = vector.broadcast %parallel_loop3A_150 : i1 to vector<16xi1>
        %parallel_loop3A_152 = tpu.scan <sum>, %parallel_loop3A_149 masked %parallel_loop3A_151 : vector<16xf32>, vector<16xi1> -> vector<16xf32>
        %parallel_loop3A_153 = vector.extract %parallel_loop3A_152[15] : f32 from vector<16xf32>
        %parallel_loop3A_154 = arith.constant 2.000000e+00 : f32
        %parallel_loop3A_155 = arith.mulf %parallel_loop3A_153, %parallel_loop3A_154 : f32
        %parallel_loop3A_156 = arith.constant 1.000000e+01 : f32
        %parallel_loop3A_157 = arith.cmpf ogt, %parallel_loop3A_155, %parallel_loop3A_156 : f32
        %parallel_loop3A_158 = arith.constant 1.000000e+00 : f32
        %parallel_loop3A_159 = arith.constant 0.000000e+00 : f32
        %parallel_loop3A_160 = arith.select %parallel_loop3A_157, %parallel_loop3A_158, %parallel_loop3A_159 : f32
        %parallel_loop3A_161 = arith.constant 2.000000e+00 : f32
        %parallel_loop3A_162 = vector.broadcast %parallel_loop3A_161 : f32 to vector<16xf32>
        %parallel_loop3A_163 = arith.mulf %parallel_loop3A_114, %parallel_loop3A_162 : vector<16xf32>
        %parallel_loop3A_164 = vector.broadcast %parallel_loop3A_160 : f32 to vector<16xf32>
        %parallel_loop3A_165 = arith.subf %parallel_loop3A_163, %parallel_loop3A_164 : vector<16xf32>
        %parallel_loop3A_166 = arith.constant 0 : i32
        %parallel_loop3A_167 = arith.addi %parallel_loop3A_110, %parallel_loop3A_166 : i32
        %parallel_loop3A_168 = arith.index_cast %parallel_loop3A_167 : i32 to index
        %parallel_loop3A_169 = tpu.vector_load %arg8[%parallel_loop3A_168] {strides = array<i32>} : memref<16384xf32, #tpu.memory_space<vmem>>, vector<16xf32>,
        tpu.vector_store %arg8[%parallel_loop3A_168], %parallel_loop3A_165 {strides = array<i32>} : memref<16384xf32, #tpu.memory_space<vmem>>, vector<16xf32>,
        %parallel_loop3A_170 = arith.constant 2.000000e+00 : f32
        %parallel_loop3A_171 = vector.broadcast %parallel_loop3A_170 : f32 to vector<16xf32>
        %parallel_loop3A_172 = arith.mulf %parallel_loop3A_118, %parallel_loop3A_171 : vector<16xf32>
        %parallel_loop3A_173 = vector.broadcast %parallel_loop3A_160 : f32 to vector<16xf32>
        %parallel_loop3A_174 = arith.subf %parallel_loop3A_172, %parallel_loop3A_173 : vector<16xf32>
        %parallel_loop3A_175 = arith.constant 16 : i32
        %parallel_loop3A_176 = arith.addi %parallel_loop3A_110, %parallel_loop3A_175 : i32
        %parallel_loop3A_177 = arith.index_cast %parallel_loop3A_176 : i32 to index
        %parallel_loop3A_178 = tpu.vector_load %arg8[%parallel_loop3A_177] {strides = array<i32>} : memref<16384xf32, #tpu.memory_space<vmem>>, vector<16xf32>,
        tpu.vector_store %arg8[%parallel_loop3A_177], %parallel_loop3A_174 {strides = array<i32>} : memref<16384xf32, #tpu.memory_space<vmem>>, vector<16xf32>,
        %parallel_loop3A_179 = arith.constant 2.000000e+00 : f32
        %parallel_loop3A_180 = vector.broadcast %parallel_loop3A_179 : f32 to vector<16xf32>
        %parallel_loop3A_181 = arith.mulf %parallel_loop3A_122, %parallel_loop3A_180 : vector<16xf32>
        %parallel_loop3A_182 = vector.broadcast %parallel_loop3A_160 : f32 to vector<16xf32>
        %parallel_loop3A_183 = arith.subf %parallel_loop3A_181, %parallel_loop3A_182 : vector<16xf32>
        %parallel_loop3A_184 = arith.constant 32 : i32
        %parallel_loop3A_185 = arith.addi %parallel_loop3A_110, %parallel_loop3A_184 : i32
        %parallel_loop3A_186 = arith.index_cast %parallel_loop3A_185 : i32 to index
        %parallel_loop3A_187 = tpu.vector_load %arg8[%parallel_loop3A_186] {strides = array<i32>} : memref<16384xf32, #tpu.memory_space<vmem>>, vector<16xf32>,
        tpu.vector_store %arg8[%parallel_loop3A_186], %parallel_loop3A_183 {strides = array<i32>} : memref<16384xf32, #tpu.memory_space<vmem>>, vector<16xf32>,
        %parallel_loop3A_188 = arith.constant 2.000000e+00 : f32
        %parallel_loop3A_189 = vector.broadcast %parallel_loop3A_188 : f32 to vector<16xf32>
        %parallel_loop3A_190 = arith.mulf %parallel_loop3A_126, %parallel_loop3A_189 : vector<16xf32>
        %parallel_loop3A_191 = vector.broadcast %parallel_loop3A_160 : f32 to vector<16xf32>
        %parallel_loop3A_192 = arith.subf %parallel_loop3A_190, %parallel_loop3A_191 : vector<16xf32>
        %parallel_loop3A_193 = arith.constant 48 : i32
        %parallel_loop3A_194 = arith.addi %parallel_loop3A_110, %parallel_loop3A_193 : i32
        %parallel_loop3A_195 = arith.index_cast %parallel_loop3A_194 : i32 to index
        %parallel_loop3A_196 = tpu.vector_load %arg8[%parallel_loop3A_195] {strides = array<i32>} : memref<16384xf32, #tpu.memory_space<vmem>>, vector<16xf32>,
        tpu.vector_store %arg8[%parallel_loop3A_195], %parallel_loop3A_192 {strides = array<i32>} : memref<16384xf32, #tpu.memory_space<vmem>>, vector<16xf32>,
        %parallel_loop3A_197 = arith.constant 2.000000e+00 : f32
        %parallel_loop3A_198 = vector.broadcast %parallel_loop3A_197 : f32 to vector<16xf32>
        %parallel_loop3A_199 = arith.mulf %parallel_loop3A_130, %parallel_loop3A_198 : vector<16xf32>
        %parallel_loop3A_200 = vector.broadcast %parallel_loop3A_160 : f32 to vector<16xf32>
        %parallel_loop3A_201 = arith.subf %parallel_loop3A_199, %parallel_loop3A_200 : vector<16xf32>
        %parallel_loop3A_202 = arith.constant 64 : i32
        %parallel_loop3A_203 = arith.addi %parallel_loop3A_110, %parallel_loop3A_202 : i32
        %parallel_loop3A_204 = arith.index_cast %parallel_loop3A_203 : i32 to index
        %parallel_loop3A_205 = tpu.vector_load %arg8[%parallel_loop3A_204] {strides = array<i32>} : memref<16384xf32, #tpu.memory_space<vmem>>, vector<16xf32>,
        tpu.vector_store %arg8[%parallel_loop3A_204], %parallel_loop3A_201 {strides = array<i32>} : memref<16384xf32, #tpu.memory_space<vmem>>, vector<16xf32>,
        %parallel_loop3A_206 = arith.constant 2.000000e+00 : f32
        %parallel_loop3A_207 = vector.broadcast %parallel_loop3A_206 : f32 to vector<16xf32>
        %parallel_loop3A_208 = arith.mulf %parallel_loop3A_134, %parallel_loop3A_207 : vector<16xf32>
        %parallel_loop3A_209 = vector.broadcast %parallel_loop3A_160 : f32 to vector<16xf32>
        %parallel_loop3A_210 = arith.subf %parallel_loop3A_208, %parallel_loop3A_209 : vector<16xf32>
        %parallel_loop3A_211 = arith.constant 80 : i32
        %parallel_loop3A_212 = arith.addi %parallel_loop3A_110, %parallel_loop3A_211 : i32
        %parallel_loop3A_213 = arith.index_cast %parallel_loop3A_212 : i32 to index
        %parallel_loop3A_214 = tpu.vector_load %arg8[%parallel_loop3A_213] {strides = array<i32>} : memref<16384xf32, #tpu.memory_space<vmem>>, vector<16xf32>,
        tpu.vector_store %arg8[%parallel_loop3A_213], %parallel_loop3A_210 {strides = array<i32>} : memref<16384xf32, #tpu.memory_space<vmem>>, vector<16xf32>,
        %parallel_loop3A_215 = arith.constant 2.000000e+00 : f32
        %parallel_loop3A_216 = vector.broadcast %parallel_loop3A_215 : f32 to vector<16xf32>
        %parallel_loop3A_217 = arith.mulf %parallel_loop3A_138, %parallel_loop3A_216 : vector<16xf32>
        %parallel_loop3A_218 = vector.broadcast %parallel_loop3A_160 : f32 to vector<16xf32>
        %parallel_loop3A_219 = arith.subf %parallel_loop3A_217, %parallel_loop3A_218 : vector<16xf32>
        %parallel_loop3A_220 = arith.constant 96 : i32
        %parallel_loop3A_221 = arith.addi %parallel_loop3A_110, %parallel_loop3A_220 : i32
        %parallel_loop3A_222 = arith.index_cast %parallel_loop3A_221 : i32 to index
        %parallel_loop3A_223 = tpu.vector_load %arg8[%parallel_loop3A_222] {strides = array<i32>} : memref<16384xf32, #tpu.memory_space<vmem>>, vector<16xf32>,
        tpu.vector_store %arg8[%parallel_loop3A_222], %parallel_loop3A_219 {strides = array<i32>} : memref<16384xf32, #tpu.memory_space<vmem>>, vector<16xf32>,
        %parallel_loop3A_224 = arith.constant 2.000000e+00 : f32
        %parallel_loop3A_225 = vector.broadcast %parallel_loop3A_224 : f32 to vector<16xf32>
        %parallel_loop3A_226 = arith.mulf %parallel_loop3A_142, %parallel_loop3A_225 : vector<16xf32>
        %parallel_loop3A_227 = vector.broadcast %parallel_loop3A_160 : f32 to vector<16xf32>
        %parallel_loop3A_228 = arith.subf %parallel_loop3A_226, %parallel_loop3A_227 : vector<16xf32>
        %parallel_loop3A_229 = arith.constant 112 : i32
        %parallel_loop3A_230 = arith.addi %parallel_loop3A_110, %parallel_loop3A_229 : i32
        %parallel_loop3A_231 = arith.index_cast %parallel_loop3A_230 : i32 to index
        %parallel_loop3A_232 = tpu.vector_load %arg8[%parallel_loop3A_231] {strides = array<i32>} : memref<16384xf32, #tpu.memory_space<vmem>>, vector<16xf32>,
        tpu.vector_store %arg8[%parallel_loop3A_231], %parallel_loop3A_228 {strides = array<i32>} : memref<16384xf32, #tpu.memory_space<vmem>>, vector<16xf32>,
      } {sc.loop_unroll_factor = 3 : i64, sc.parallel_access}
      %mul3A_73 = arith.constant 16384 : i32
      %mul3A_74 = arith.muli %add3A_62, %mul3A_73 : i32
      %add3A_75 = arith.addi %mul3A_4, %mul3A_74 : i32
      %dma_start3A_76 = tpu.memref_slice %arg3[%add3A_75] : memref<33554432xf32, #tpu.memory_space<hbm>> -> memref<16384xf32, #tpu.memory_space<hbm>>
      %dma_start3A_77 = tpu.memref_slice %arg3[%add3A_75] : memref<33554432xf32, #tpu.memory_space<hbm>> -> memref<16384xf32, #tpu.memory_space<hbm>>
      tpu.enqueue_dma source(%arg8 : memref<16384xf32, #tpu.memory_space<vmem>>) target(%dma_start3A_77 : memref<16384xf32, #tpu.memory_space<hbm>>) target_semaphore(%arg14 : memref<!tpu.dma_semaphore, #tpu.memory_space<semaphore_mem>>)
      %lt3A_78 = arith.constant 61 : i32
      %lt3A_79 = arith.cmpi slt, %add3A_62, %lt3A_78 : i32
      %convert_element_type3A_80 = arith.extui %lt3A_79 : i1 to i32
      %cond3A_81 = arith.constant 0 : i32
      %cond3A_82 = arith.cmpi ne, %convert_element_type3A_80, %cond3A_81 : i32
      scf.if %cond3A_82 {
        %add3A_108 = arith.constant 3 : i32
        %add3A_109 = arith.addi %add3A_62, %add3A_108 : i32
        %mul3A_110 = arith.constant 16384 : i32
        %mul3A_111 = arith.muli %add3A_109, %mul3A_110 : i32
        %add3A_112 = arith.addi %mul3A_4, %mul3A_111 : i32
        %dma_start3A_113 = tpu.memref_slice %arg2[%add3A_112] : memref<33554432xf32, #tpu.memory_space<hbm>> -> memref<16384xf32, #tpu.memory_space<hbm>>
        %dma_start3A_114 = tpu.memref_slice %arg2[%add3A_112] : memref<33554432xf32, #tpu.memory_space<hbm>> -> memref<16384xf32, #tpu.memory_space<hbm>>
        tpu.enqueue_dma source(%dma_start3A_114 : memref<16384xf32, #tpu.memory_space<hbm>>) target(%arg5 : memref<16384xf32, #tpu.memory_space<vmem>>) target_semaphore(%arg11 : memref<!tpu.dma_semaphore, #tpu.memory_space<semaphore_mem>>)
      } else {
      }
      %mul3A_83 = arith.constant 3 : i32
      %mul3A_84 = arith.muli %scan3A_37, %mul3A_83 : i32
      %add3A_85 = arith.constant 2 : i32
      %add3A_86 = arith.addi %mul3A_84, %add3A_85 : i32
      %dma_wait3A_87 = tpu.memref_slice %arg2[%mul3A_4] : memref<33554432xf32, #tpu.memory_space<hbm>> -> memref<16384xf32, #tpu.memory_space<hbm>>
      %dma_wait3A_88 = tpu.memref_slice %arg2[%mul3A_4] : memref<33554432xf32, #tpu.memory_space<hbm>> -> memref<16384xf32, #tpu.memory_space<hbm>>
      tpu.wait_dma2 semaphore(%arg12 : memref<!tpu.dma_semaphore, #tpu.memory_space<semaphore_mem>>) src(%dma_wait3A_88 : memref<16384xf32, #tpu.memory_space<hbm>>) dst(%arg6 : memref<16384xf32, #tpu.memory_space<vmem>>)
      %ge3A_89 = arith.constant 3 : i32
      %ge3A_90 = arith.cmpi sge, %add3A_86, %ge3A_89 : i32
      %convert_element_type3A_91 = arith.extui %ge3A_90 : i1 to i32
      %cond3A_92 = arith.constant 0 : i32
      %cond3A_93 = arith.cmpi ne, %convert_element_type3A_91, %cond3A_92 : i32
      scf.if %cond3A_93 {
        %dma_wait3A_108 = tpu.memref_slice %arg3[%mul3A_4] : memref<33554432xf32, #tpu.memory_space<hbm>> -> memref<16384xf32, #tpu.memory_space<hbm>>
        %dma_wait3A_109 = tpu.memref_slice %arg3[%mul3A_4] : memref<33554432xf32, #tpu.memory_space<hbm>> -> memref<16384xf32, #tpu.memory_space<hbm>>
        tpu.wait_dma2 semaphore(%arg15 : memref<!tpu.dma_semaphore, #tpu.memory_space<semaphore_mem>>) src(%arg9 : memref<16384xf32, #tpu.memory_space<vmem>>) dst(%dma_wait3A_109 : memref<16384xf32, #tpu.memory_space<hbm>>)
      } else {
      }
      %parallel_loop3A_94 = arith.constant 0 : i32
      %parallel_loop3A_95 = arith.constant 128 : i32
      %parallel_loop3A_96 = arith.constant 1 : i32
      scf.for %parallel_loop3A_108 = %parallel_loop3A_94 to %parallel_loop3A_95 step %parallel_loop3A_96  : i32 {
        %parallel_loop3A_109 = arith.constant 128 : i32
        %parallel_loop3A_110 = arith.muli %parallel_loop3A_108, %parallel_loop3A_109 : i32
        %parallel_loop3A_111 = arith.constant 0 : i32
        %parallel_loop3A_112 = arith.addi %parallel_loop3A_110, %parallel_loop3A_111 : i32
        %parallel_loop3A_113 = arith.index_cast %parallel_loop3A_112 : i32 to index
        %parallel_loop3A_114 = tpu.vector_load %arg6[%parallel_loop3A_113] {strides = array<i32>} : memref<16384xf32, #tpu.memory_space<vmem>>, vector<16xf32>,
        %parallel_loop3A_115 = arith.constant 16 : i32
        %parallel_loop3A_116 = arith.addi %parallel_loop3A_110, %parallel_loop3A_115 : i32
        %parallel_loop3A_117 = arith.index_cast %parallel_loop3A_116 : i32 to index
        %parallel_loop3A_118 = tpu.vector_load %arg6[%parallel_loop3A_117] {strides = array<i32>} : memref<16384xf32, #tpu.memory_space<vmem>>, vector<16xf32>,
        %parallel_loop3A_119 = arith.constant 32 : i32
        %parallel_loop3A_120 = arith.addi %parallel_loop3A_110, %parallel_loop3A_119 : i32
        %parallel_loop3A_121 = arith.index_cast %parallel_loop3A_120 : i32 to index
        %parallel_loop3A_122 = tpu.vector_load %arg6[%parallel_loop3A_121] {strides = array<i32>} : memref<16384xf32, #tpu.memory_space<vmem>>, vector<16xf32>,
        %parallel_loop3A_123 = arith.constant 48 : i32
        %parallel_loop3A_124 = arith.addi %parallel_loop3A_110, %parallel_loop3A_123 : i32
        %parallel_loop3A_125 = arith.index_cast %parallel_loop3A_124 : i32 to index
        %parallel_loop3A_126 = tpu.vector_load %arg6[%parallel_loop3A_125] {strides = array<i32>} : memref<16384xf32, #tpu.memory_space<vmem>>, vector<16xf32>,
        %parallel_loop3A_127 = arith.constant 64 : i32
        %parallel_loop3A_128 = arith.addi %parallel_loop3A_110, %parallel_loop3A_127 : i32
        %parallel_loop3A_129 = arith.index_cast %parallel_loop3A_128 : i32 to index
        %parallel_loop3A_130 = tpu.vector_load %arg6[%parallel_loop3A_129] {strides = array<i32>} : memref<16384xf32, #tpu.memory_space<vmem>>, vector<16xf32>,
        %parallel_loop3A_131 = arith.constant 80 : i32
        %parallel_loop3A_132 = arith.addi %parallel_loop3A_110, %parallel_loop3A_131 : i32
        %parallel_loop3A_133 = arith.index_cast %parallel_loop3A_132 : i32 to index
        %parallel_loop3A_134 = tpu.vector_load %arg6[%parallel_loop3A_133] {strides = array<i32>} : memref<16384xf32, #tpu.memory_space<vmem>>, vector<16xf32>,
        %parallel_loop3A_135 = arith.constant 96 : i32
        %parallel_loop3A_136 = arith.addi %parallel_loop3A_110, %parallel_loop3A_135 : i32
        %parallel_loop3A_137 = arith.index_cast %parallel_loop3A_136 : i32 to index
        %parallel_loop3A_138 = tpu.vector_load %arg6[%parallel_loop3A_137] {strides = array<i32>} : memref<16384xf32, #tpu.memory_space<vmem>>, vector<16xf32>,
        %parallel_loop3A_139 = arith.constant 112 : i32
        %parallel_loop3A_140 = arith.addi %parallel_loop3A_110, %parallel_loop3A_139 : i32
        %parallel_loop3A_141 = arith.index_cast %parallel_loop3A_140 : i32 to index
        %parallel_loop3A_142 = tpu.vector_load %arg6[%parallel_loop3A_141] {strides = array<i32>} : memref<16384xf32, #tpu.memory_space<vmem>>, vector<16xf32>,
        %parallel_loop3A_143 = arith.addf %parallel_loop3A_114, %parallel_loop3A_118 : vector<16xf32>
        %parallel_loop3A_144 = arith.addf %parallel_loop3A_122, %parallel_loop3A_126 : vector<16xf32>
        %parallel_loop3A_145 = arith.addf %parallel_loop3A_130, %parallel_loop3A_134 : vector<16xf32>
        %parallel_loop3A_146 = arith.addf %parallel_loop3A_138, %parallel_loop3A_142 : vector<16xf32>
        %parallel_loop3A_147 = arith.addf %parallel_loop3A_143, %parallel_loop3A_144 : vector<16xf32>
        %parallel_loop3A_148 = arith.addf %parallel_loop3A_145, %parallel_loop3A_146 : vector<16xf32>
        %parallel_loop3A_149 = arith.addf %parallel_loop3A_147, %parallel_loop3A_148 : vector<16xf32>
        %parallel_loop3A_150 = arith.constant true
        %parallel_loop3A_151 = vector.broadcast %parallel_loop3A_150 : i1 to vector<16xi1>
        %parallel_loop3A_152 = tpu.scan <sum>, %parallel_loop3A_149 masked %parallel_loop3A_151 : vector<16xf32>, vector<16xi1> -> vector<16xf32>
        %parallel_loop3A_153 = vector.extract %parallel_loop3A_152[15] : f32 from vector<16xf32>
        %parallel_loop3A_154 = arith.constant 2.000000e+00 : f32
        %parallel_loop3A_155 = arith.mulf %parallel_loop3A_153, %parallel_loop3A_154 : f32
        %parallel_loop3A_156 = arith.constant 1.000000e+01 : f32
        %parallel_loop3A_157 = arith.cmpf ogt, %parallel_loop3A_155, %parallel_loop3A_156 : f32
        %parallel_loop3A_158 = arith.constant 1.000000e+00 : f32
        %parallel_loop3A_159 = arith.constant 0.000000e+00 : f32
        %parallel_loop3A_160 = arith.select %parallel_loop3A_157, %parallel_loop3A_158, %parallel_loop3A_159 : f32
        %parallel_loop3A_161 = arith.constant 2.000000e+00 : f32
        %parallel_loop3A_162 = vector.broadcast %parallel_loop3A_161 : f32 to vector<16xf32>
        %parallel_loop3A_163 = arith.mulf %parallel_loop3A_114, %parallel_loop3A_162 : vector<16xf32>
        %parallel_loop3A_164 = vector.broadcast %parallel_loop3A_160 : f32 to vector<16xf32>
        %parallel_loop3A_165 = arith.subf %parallel_loop3A_163, %parallel_loop3A_164 : vector<16xf32>
        %parallel_loop3A_166 = arith.constant 0 : i32
        %parallel_loop3A_167 = arith.addi %parallel_loop3A_110, %parallel_loop3A_166 : i32
        %parallel_loop3A_168 = arith.index_cast %parallel_loop3A_167 : i32 to index
        %parallel_loop3A_169 = tpu.vector_load %arg9[%parallel_loop3A_168] {strides = array<i32>} : memref<16384xf32, #tpu.memory_space<vmem>>, vector<16xf32>,
        tpu.vector_store %arg9[%parallel_loop3A_168], %parallel_loop3A_165 {strides = array<i32>} : memref<16384xf32, #tpu.memory_space<vmem>>, vector<16xf32>,
        %parallel_loop3A_170 = arith.constant 2.000000e+00 : f32
        %parallel_loop3A_171 = vector.broadcast %parallel_loop3A_170 : f32 to vector<16xf32>
        %parallel_loop3A_172 = arith.mulf %parallel_loop3A_118, %parallel_loop3A_171 : vector<16xf32>
        %parallel_loop3A_173 = vector.broadcast %parallel_loop3A_160 : f32 to vector<16xf32>
        %parallel_loop3A_174 = arith.subf %parallel_loop3A_172, %parallel_loop3A_173 : vector<16xf32>
        %parallel_loop3A_175 = arith.constant 16 : i32
        %parallel_loop3A_176 = arith.addi %parallel_loop3A_110, %parallel_loop3A_175 : i32
        %parallel_loop3A_177 = arith.index_cast %parallel_loop3A_176 : i32 to index
        %parallel_loop3A_178 = tpu.vector_load %arg9[%parallel_loop3A_177] {strides = array<i32>} : memref<16384xf32, #tpu.memory_space<vmem>>, vector<16xf32>,
        tpu.vector_store %arg9[%parallel_loop3A_177], %parallel_loop3A_174 {strides = array<i32>} : memref<16384xf32, #tpu.memory_space<vmem>>, vector<16xf32>,
        %parallel_loop3A_179 = arith.constant 2.000000e+00 : f32
        %parallel_loop3A_180 = vector.broadcast %parallel_loop3A_179 : f32 to vector<16xf32>
        %parallel_loop3A_181 = arith.mulf %parallel_loop3A_122, %parallel_loop3A_180 : vector<16xf32>
        %parallel_loop3A_182 = vector.broadcast %parallel_loop3A_160 : f32 to vector<16xf32>
        %parallel_loop3A_183 = arith.subf %parallel_loop3A_181, %parallel_loop3A_182 : vector<16xf32>
        %parallel_loop3A_184 = arith.constant 32 : i32
        %parallel_loop3A_185 = arith.addi %parallel_loop3A_110, %parallel_loop3A_184 : i32
        %parallel_loop3A_186 = arith.index_cast %parallel_loop3A_185 : i32 to index
        %parallel_loop3A_187 = tpu.vector_load %arg9[%parallel_loop3A_186] {strides = array<i32>} : memref<16384xf32, #tpu.memory_space<vmem>>, vector<16xf32>,
        tpu.vector_store %arg9[%parallel_loop3A_186], %parallel_loop3A_183 {strides = array<i32>} : memref<16384xf32, #tpu.memory_space<vmem>>, vector<16xf32>,
        %parallel_loop3A_188 = arith.constant 2.000000e+00 : f32
        %parallel_loop3A_189 = vector.broadcast %parallel_loop3A_188 : f32 to vector<16xf32>
        %parallel_loop3A_190 = arith.mulf %parallel_loop3A_126, %parallel_loop3A_189 : vector<16xf32>
        %parallel_loop3A_191 = vector.broadcast %parallel_loop3A_160 : f32 to vector<16xf32>
        %parallel_loop3A_192 = arith.subf %parallel_loop3A_190, %parallel_loop3A_191 : vector<16xf32>
        %parallel_loop3A_193 = arith.constant 48 : i32
        %parallel_loop3A_194 = arith.addi %parallel_loop3A_110, %parallel_loop3A_193 : i32
        %parallel_loop3A_195 = arith.index_cast %parallel_loop3A_194 : i32 to index
        %parallel_loop3A_196 = tpu.vector_load %arg9[%parallel_loop3A_195] {strides = array<i32>} : memref<16384xf32, #tpu.memory_space<vmem>>, vector<16xf32>,
        tpu.vector_store %arg9[%parallel_loop3A_195], %parallel_loop3A_192 {strides = array<i32>} : memref<16384xf32, #tpu.memory_space<vmem>>, vector<16xf32>,
        %parallel_loop3A_197 = arith.constant 2.000000e+00 : f32
        %parallel_loop3A_198 = vector.broadcast %parallel_loop3A_197 : f32 to vector<16xf32>
        %parallel_loop3A_199 = arith.mulf %parallel_loop3A_130, %parallel_loop3A_198 : vector<16xf32>
        %parallel_loop3A_200 = vector.broadcast %parallel_loop3A_160 : f32 to vector<16xf32>
        %parallel_loop3A_201 = arith.subf %parallel_loop3A_199, %parallel_loop3A_200 : vector<16xf32>
        %parallel_loop3A_202 = arith.constant 64 : i32
        %parallel_loop3A_203 = arith.addi %parallel_loop3A_110, %parallel_loop3A_202 : i32
        %parallel_loop3A_204 = arith.index_cast %parallel_loop3A_203 : i32 to index
        %parallel_loop3A_205 = tpu.vector_load %arg9[%parallel_loop3A_204] {strides = array<i32>} : memref<16384xf32, #tpu.memory_space<vmem>>, vector<16xf32>,
        tpu.vector_store %arg9[%parallel_loop3A_204], %parallel_loop3A_201 {strides = array<i32>} : memref<16384xf32, #tpu.memory_space<vmem>>, vector<16xf32>,
        %parallel_loop3A_206 = arith.constant 2.000000e+00 : f32
        %parallel_loop3A_207 = vector.broadcast %parallel_loop3A_206 : f32 to vector<16xf32>
        %parallel_loop3A_208 = arith.mulf %parallel_loop3A_134, %parallel_loop3A_207 : vector<16xf32>
        %parallel_loop3A_209 = vector.broadcast %parallel_loop3A_160 : f32 to vector<16xf32>
        %parallel_loop3A_210 = arith.subf %parallel_loop3A_208, %parallel_loop3A_209 : vector<16xf32>
        %parallel_loop3A_211 = arith.constant 80 : i32
        %parallel_loop3A_212 = arith.addi %parallel_loop3A_110, %parallel_loop3A_211 : i32
        %parallel_loop3A_213 = arith.index_cast %parallel_loop3A_212 : i32 to index
        %parallel_loop3A_214 = tpu.vector_load %arg9[%parallel_loop3A_213] {strides = array<i32>} : memref<16384xf32, #tpu.memory_space<vmem>>, vector<16xf32>,
        tpu.vector_store %arg9[%parallel_loop3A_213], %parallel_loop3A_210 {strides = array<i32>} : memref<16384xf32, #tpu.memory_space<vmem>>, vector<16xf32>,
        %parallel_loop3A_215 = arith.constant 2.000000e+00 : f32
        %parallel_loop3A_216 = vector.broadcast %parallel_loop3A_215 : f32 to vector<16xf32>
        %parallel_loop3A_217 = arith.mulf %parallel_loop3A_138, %parallel_loop3A_216 : vector<16xf32>
        %parallel_loop3A_218 = vector.broadcast %parallel_loop3A_160 : f32 to vector<16xf32>
        %parallel_loop3A_219 = arith.subf %parallel_loop3A_217, %parallel_loop3A_218 : vector<16xf32>
        %parallel_loop3A_220 = arith.constant 96 : i32
        %parallel_loop3A_221 = arith.addi %parallel_loop3A_110, %parallel_loop3A_220 : i32
        %parallel_loop3A_222 = arith.index_cast %parallel_loop3A_221 : i32 to index
        %parallel_loop3A_223 = tpu.vector_load %arg9[%parallel_loop3A_222] {strides = array<i32>} : memref<16384xf32, #tpu.memory_space<vmem>>, vector<16xf32>,
        tpu.vector_store %arg9[%parallel_loop3A_222], %parallel_loop3A_219 {strides = array<i32>} : memref<16384xf32, #tpu.memory_space<vmem>>, vector<16xf32>,
        %parallel_loop3A_224 = arith.constant 2.000000e+00 : f32
        %parallel_loop3A_225 = vector.broadcast %parallel_loop3A_224 : f32 to vector<16xf32>
        %parallel_loop3A_226 = arith.mulf %parallel_loop3A_142, %parallel_loop3A_225 : vector<16xf32>
        %parallel_loop3A_227 = vector.broadcast %parallel_loop3A_160 : f32 to vector<16xf32>
        %parallel_loop3A_228 = arith.subf %parallel_loop3A_226, %parallel_loop3A_227 : vector<16xf32>
        %parallel_loop3A_229 = arith.constant 112 : i32
        %parallel_loop3A_230 = arith.addi %parallel_loop3A_110, %parallel_loop3A_229 : i32
        %parallel_loop3A_231 = arith.index_cast %parallel_loop3A_230 : i32 to index
        %parallel_loop3A_232 = tpu.vector_load %arg9[%parallel_loop3A_231] {strides = array<i32>} : memref<16384xf32, #tpu.memory_space<vmem>>, vector<16xf32>,
        tpu.vector_store %arg9[%parallel_loop3A_231], %parallel_loop3A_228 {strides = array<i32>} : memref<16384xf32, #tpu.memory_space<vmem>>, vector<16xf32>,
      } {sc.loop_unroll_factor = 3 : i64, sc.parallel_access}
      %mul3A_97 = arith.constant 16384 : i32
      %mul3A_98 = arith.muli %add3A_86, %mul3A_97 : i32
      %add3A_99 = arith.addi %mul3A_4, %mul3A_98 : i32
      %dma_start3A_100 = tpu.memref_slice %arg3[%add3A_99] : memref<33554432xf32, #tpu.memory_space<hbm>> -> memref<16384xf32, #tpu.memory_space<hbm>>
      %dma_start3A_101 = tpu.memref_slice %arg3[%add3A_99] : memref<33554432xf32, #tpu.memory_space<hbm>> -> memref<16384xf32, #tpu.memory_space<hbm>>
      tpu.enqueue_dma source(%arg9 : memref<16384xf32, #tpu.memory_space<vmem>>) target(%dma_start3A_101 : memref<16384xf32, #tpu.memory_space<hbm>>) target_semaphore(%arg15 : memref<!tpu.dma_semaphore, #tpu.memory_space<semaphore_mem>>)
      %lt3A_102 = arith.constant 61 : i32
      %lt3A_103 = arith.cmpi slt, %add3A_86, %lt3A_102 : i32
      %convert_element_type3A_104 = arith.extui %lt3A_103 : i1 to i32
      %cond3A_105 = arith.constant 0 : i32
      %cond3A_106 = arith.cmpi ne, %convert_element_type3A_104, %cond3A_105 : i32
      scf.if %cond3A_106 {
        %add3A_108 = arith.constant 3 : i32
        %add3A_109 = arith.addi %add3A_86, %add3A_108 : i32
        %mul3A_110 = arith.constant 16384 : i32
        %mul3A_111 = arith.muli %add3A_109, %mul3A_110 : i32
        %add3A_112 = arith.addi %mul3A_4, %mul3A_111 : i32
        %dma_start3A_113 = tpu.memref_slice %arg2[%add3A_112] : memref<33554432xf32, #tpu.memory_space<hbm>> -> memref<16384xf32, #tpu.memory_space<hbm>>
        %dma_start3A_114 = tpu.memref_slice %arg2[%add3A_112] : memref<33554432xf32, #tpu.memory_space<hbm>> -> memref<16384xf32, #tpu.memory_space<hbm>>
        tpu.enqueue_dma source(%dma_start3A_114 : memref<16384xf32, #tpu.memory_space<hbm>>) target(%arg6 : memref<16384xf32, #tpu.memory_space<vmem>>) target_semaphore(%arg12 : memref<!tpu.dma_semaphore, #tpu.memory_space<semaphore_mem>>)
      } else {
      }
      %scan3A_107 = arith.constant 0 : i32
      scf.yield %scan3A_107 : i32
    }
    %scan3A_21 = arith.constant 21 : i32
    %dma_wait3A = tpu.memref_slice %arg2[%mul3A_4] : memref<33554432xf32, #tpu.memory_space<hbm>> -> memref<16384xf32, #tpu.memory_space<hbm>>
    %dma_wait3A_22 = tpu.memref_slice %arg2[%mul3A_4] : memref<33554432xf32, #tpu.memory_space<hbm>> -> memref<16384xf32, #tpu.memory_space<hbm>>
    tpu.wait_dma2 semaphore(%arg10 : memref<!tpu.dma_semaphore, #tpu.memory_space<semaphore_mem>>) src(%dma_wait3A_22 : memref<16384xf32, #tpu.memory_space<hbm>>) dst(%arg4 : memref<16384xf32, #tpu.memory_space<vmem>>)
    %dma_wait3A_23 = tpu.memref_slice %arg3[%mul3A_4] : memref<33554432xf32, #tpu.memory_space<hbm>> -> memref<16384xf32, #tpu.memory_space<hbm>>
    %dma_wait3A_24 = tpu.memref_slice %arg3[%mul3A_4] : memref<33554432xf32, #tpu.memory_space<hbm>> -> memref<16384xf32, #tpu.memory_space<hbm>>
    tpu.wait_dma2 semaphore(%arg13 : memref<!tpu.dma_semaphore, #tpu.memory_space<semaphore_mem>>) src(%arg7 : memref<16384xf32, #tpu.memory_space<vmem>>) dst(%dma_wait3A_24 : memref<16384xf32, #tpu.memory_space<hbm>>)
    %parallel_loop3A = arith.constant 0 : i32
    %parallel_loop3A_25 = arith.constant 128 : i32
    %parallel_loop3A_26 = arith.constant 1 : i32
    scf.for %parallel_loop3A_37 = %parallel_loop3A to %parallel_loop3A_25 step %parallel_loop3A_26  : i32 {
      %parallel_loop3A_38 = arith.constant 128 : i32
      %parallel_loop3A_39 = arith.muli %parallel_loop3A_37, %parallel_loop3A_38 : i32
      %parallel_loop3A_40 = arith.constant 0 : i32
      %parallel_loop3A_41 = arith.addi %parallel_loop3A_39, %parallel_loop3A_40 : i32
      %parallel_loop3A_42 = arith.index_cast %parallel_loop3A_41 : i32 to index
      %parallel_loop3A_43 = tpu.vector_load %arg4[%parallel_loop3A_42] {strides = array<i32>} : memref<16384xf32, #tpu.memory_space<vmem>>, vector<16xf32>,
      %parallel_loop3A_44 = arith.constant 16 : i32
      %parallel_loop3A_45 = arith.addi %parallel_loop3A_39, %parallel_loop3A_44 : i32
      %parallel_loop3A_46 = arith.index_cast %parallel_loop3A_45 : i32 to index
      %parallel_loop3A_47 = tpu.vector_load %arg4[%parallel_loop3A_46] {strides = array<i32>} : memref<16384xf32, #tpu.memory_space<vmem>>, vector<16xf32>,
      %parallel_loop3A_48 = arith.constant 32 : i32
      %parallel_loop3A_49 = arith.addi %parallel_loop3A_39, %parallel_loop3A_48 : i32
      %parallel_loop3A_50 = arith.index_cast %parallel_loop3A_49 : i32 to index
      %parallel_loop3A_51 = tpu.vector_load %arg4[%parallel_loop3A_50] {strides = array<i32>} : memref<16384xf32, #tpu.memory_space<vmem>>, vector<16xf32>,
      %parallel_loop3A_52 = arith.constant 48 : i32
      %parallel_loop3A_53 = arith.addi %parallel_loop3A_39, %parallel_loop3A_52 : i32
      %parallel_loop3A_54 = arith.index_cast %parallel_loop3A_53 : i32 to index
      %parallel_loop3A_55 = tpu.vector_load %arg4[%parallel_loop3A_54] {strides = array<i32>} : memref<16384xf32, #tpu.memory_space<vmem>>, vector<16xf32>,
      %parallel_loop3A_56 = arith.constant 64 : i32
      %parallel_loop3A_57 = arith.addi %parallel_loop3A_39, %parallel_loop3A_56 : i32
      %parallel_loop3A_58 = arith.index_cast %parallel_loop3A_57 : i32 to index
      %parallel_loop3A_59 = tpu.vector_load %arg4[%parallel_loop3A_58] {strides = array<i32>} : memref<16384xf32, #tpu.memory_space<vmem>>, vector<16xf32>,
      %parallel_loop3A_60 = arith.constant 80 : i32
      %parallel_loop3A_61 = arith.addi %parallel_loop3A_39, %parallel_loop3A_60 : i32
      %parallel_loop3A_62 = arith.index_cast %parallel_loop3A_61 : i32 to index
      %parallel_loop3A_63 = tpu.vector_load %arg4[%parallel_loop3A_62] {strides = array<i32>} : memref<16384xf32, #tpu.memory_space<vmem>>, vector<16xf32>,
      %parallel_loop3A_64 = arith.constant 96 : i32
      %parallel_loop3A_65 = arith.addi %parallel_loop3A_39, %parallel_loop3A_64 : i32
      %parallel_loop3A_66 = arith.index_cast %parallel_loop3A_65 : i32 to index
      %parallel_loop3A_67 = tpu.vector_load %arg4[%parallel_loop3A_66] {strides = array<i32>} : memref<16384xf32, #tpu.memory_space<vmem>>, vector<16xf32>,
      %parallel_loop3A_68 = arith.constant 112 : i32
      %parallel_loop3A_69 = arith.addi %parallel_loop3A_39, %parallel_loop3A_68 : i32
      %parallel_loop3A_70 = arith.index_cast %parallel_loop3A_69 : i32 to index
      %parallel_loop3A_71 = tpu.vector_load %arg4[%parallel_loop3A_70] {strides = array<i32>} : memref<16384xf32, #tpu.memory_space<vmem>>, vector<16xf32>,
      %parallel_loop3A_72 = arith.addf %parallel_loop3A_43, %parallel_loop3A_47 : vector<16xf32>
      %parallel_loop3A_73 = arith.addf %parallel_loop3A_51, %parallel_loop3A_55 : vector<16xf32>
      %parallel_loop3A_74 = arith.addf %parallel_loop3A_59, %parallel_loop3A_63 : vector<16xf32>
      %parallel_loop3A_75 = arith.addf %parallel_loop3A_67, %parallel_loop3A_71 : vector<16xf32>
      %parallel_loop3A_76 = arith.addf %parallel_loop3A_72, %parallel_loop3A_73 : vector<16xf32>
      %parallel_loop3A_77 = arith.addf %parallel_loop3A_74, %parallel_loop3A_75 : vector<16xf32>
      %parallel_loop3A_78 = arith.addf %parallel_loop3A_76, %parallel_loop3A_77 : vector<16xf32>
      %parallel_loop3A_79 = arith.constant true
      %parallel_loop3A_80 = vector.broadcast %parallel_loop3A_79 : i1 to vector<16xi1>
      %parallel_loop3A_81 = tpu.scan <sum>, %parallel_loop3A_78 masked %parallel_loop3A_80 : vector<16xf32>, vector<16xi1> -> vector<16xf32>
      %parallel_loop3A_82 = vector.extract %parallel_loop3A_81[15] : f32 from vector<16xf32>
      %parallel_loop3A_83 = arith.constant 2.000000e+00 : f32
      %parallel_loop3A_84 = arith.mulf %parallel_loop3A_82, %parallel_loop3A_83 : f32
      %parallel_loop3A_85 = arith.constant 1.000000e+01 : f32
      %parallel_loop3A_86 = arith.cmpf ogt, %parallel_loop3A_84, %parallel_loop3A_85 : f32
      %parallel_loop3A_87 = arith.constant 1.000000e+00 : f32
      %parallel_loop3A_88 = arith.constant 0.000000e+00 : f32
      %parallel_loop3A_89 = arith.select %parallel_loop3A_86, %parallel_loop3A_87, %parallel_loop3A_88 : f32
      %parallel_loop3A_90 = arith.constant 2.000000e+00 : f32
      %parallel_loop3A_91 = vector.broadcast %parallel_loop3A_90 : f32 to vector<16xf32>
      %parallel_loop3A_92 = arith.mulf %parallel_loop3A_43, %parallel_loop3A_91 : vector<16xf32>
      %parallel_loop3A_93 = vector.broadcast %parallel_loop3A_89 : f32 to vector<16xf32>
      %parallel_loop3A_94 = arith.subf %parallel_loop3A_92, %parallel_loop3A_93 : vector<16xf32>
      %parallel_loop3A_95 = arith.constant 0 : i32
      %parallel_loop3A_96 = arith.addi %parallel_loop3A_39, %parallel_loop3A_95 : i32
      %parallel_loop3A_97 = arith.index_cast %parallel_loop3A_96 : i32 to index
      %parallel_loop3A_98 = tpu.vector_load %arg7[%parallel_loop3A_97] {strides = array<i32>} : memref<16384xf32, #tpu.memory_space<vmem>>, vector<16xf32>,
      tpu.vector_store %arg7[%parallel_loop3A_97], %parallel_loop3A_94 {strides = array<i32>} : memref<16384xf32, #tpu.memory_space<vmem>>, vector<16xf32>,
      %parallel_loop3A_99 = arith.constant 2.000000e+00 : f32
      %parallel_loop3A_100 = vector.broadcast %parallel_loop3A_99 : f32 to vector<16xf32>
      %parallel_loop3A_101 = arith.mulf %parallel_loop3A_47, %parallel_loop3A_100 : vector<16xf32>
      %parallel_loop3A_102 = vector.broadcast %parallel_loop3A_89 : f32 to vector<16xf32>
      %parallel_loop3A_103 = arith.subf %parallel_loop3A_101, %parallel_loop3A_102 : vector<16xf32>
      %parallel_loop3A_104 = arith.constant 16 : i32
      %parallel_loop3A_105 = arith.addi %parallel_loop3A_39, %parallel_loop3A_104 : i32
      %parallel_loop3A_106 = arith.index_cast %parallel_loop3A_105 : i32 to index
      %parallel_loop3A_107 = tpu.vector_load %arg7[%parallel_loop3A_106] {strides = array<i32>} : memref<16384xf32, #tpu.memory_space<vmem>>, vector<16xf32>,
      tpu.vector_store %arg7[%parallel_loop3A_106], %parallel_loop3A_103 {strides = array<i32>} : memref<16384xf32, #tpu.memory_space<vmem>>, vector<16xf32>,
      %parallel_loop3A_108 = arith.constant 2.000000e+00 : f32
      %parallel_loop3A_109 = vector.broadcast %parallel_loop3A_108 : f32 to vector<16xf32>
      %parallel_loop3A_110 = arith.mulf %parallel_loop3A_51, %parallel_loop3A_109 : vector<16xf32>
      %parallel_loop3A_111 = vector.broadcast %parallel_loop3A_89 : f32 to vector<16xf32>
      %parallel_loop3A_112 = arith.subf %parallel_loop3A_110, %parallel_loop3A_111 : vector<16xf32>
      %parallel_loop3A_113 = arith.constant 32 : i32
      %parallel_loop3A_114 = arith.addi %parallel_loop3A_39, %parallel_loop3A_113 : i32
      %parallel_loop3A_115 = arith.index_cast %parallel_loop3A_114 : i32 to index
      %parallel_loop3A_116 = tpu.vector_load %arg7[%parallel_loop3A_115] {strides = array<i32>} : memref<16384xf32, #tpu.memory_space<vmem>>, vector<16xf32>,
      tpu.vector_store %arg7[%parallel_loop3A_115], %parallel_loop3A_112 {strides = array<i32>} : memref<16384xf32, #tpu.memory_space<vmem>>, vector<16xf32>,
      %parallel_loop3A_117 = arith.constant 2.000000e+00 : f32
      %parallel_loop3A_118 = vector.broadcast %parallel_loop3A_117 : f32 to vector<16xf32>
      %parallel_loop3A_119 = arith.mulf %parallel_loop3A_55, %parallel_loop3A_118 : vector<16xf32>
      %parallel_loop3A_120 = vector.broadcast %parallel_loop3A_89 : f32 to vector<16xf32>
      %parallel_loop3A_121 = arith.subf %parallel_loop3A_119, %parallel_loop3A_120 : vector<16xf32>
      %parallel_loop3A_122 = arith.constant 48 : i32
      %parallel_loop3A_123 = arith.addi %parallel_loop3A_39, %parallel_loop3A_122 : i32
      %parallel_loop3A_124 = arith.index_cast %parallel_loop3A_123 : i32 to index
      %parallel_loop3A_125 = tpu.vector_load %arg7[%parallel_loop3A_124] {strides = array<i32>} : memref<16384xf32, #tpu.memory_space<vmem>>, vector<16xf32>,
      tpu.vector_store %arg7[%parallel_loop3A_124], %parallel_loop3A_121 {strides = array<i32>} : memref<16384xf32, #tpu.memory_space<vmem>>, vector<16xf32>,
      %parallel_loop3A_126 = arith.constant 2.000000e+00 : f32
      %parallel_loop3A_127 = vector.broadcast %parallel_loop3A_126 : f32 to vector<16xf32>
      %parallel_loop3A_128 = arith.mulf %parallel_loop3A_59, %parallel_loop3A_127 : vector<16xf32>
      %parallel_loop3A_129 = vector.broadcast %parallel_loop3A_89 : f32 to vector<16xf32>
      %parallel_loop3A_130 = arith.subf %parallel_loop3A_128, %parallel_loop3A_129 : vector<16xf32>
      %parallel_loop3A_131 = arith.constant 64 : i32
      %parallel_loop3A_132 = arith.addi %parallel_loop3A_39, %parallel_loop3A_131 : i32
      %parallel_loop3A_133 = arith.index_cast %parallel_loop3A_132 : i32 to index
      %parallel_loop3A_134 = tpu.vector_load %arg7[%parallel_loop3A_133] {strides = array<i32>} : memref<16384xf32, #tpu.memory_space<vmem>>, vector<16xf32>,
      tpu.vector_store %arg7[%parallel_loop3A_133], %parallel_loop3A_130 {strides = array<i32>} : memref<16384xf32, #tpu.memory_space<vmem>>, vector<16xf32>,
      %parallel_loop3A_135 = arith.constant 2.000000e+00 : f32
      %parallel_loop3A_136 = vector.broadcast %parallel_loop3A_135 : f32 to vector<16xf32>
      %parallel_loop3A_137 = arith.mulf %parallel_loop3A_63, %parallel_loop3A_136 : vector<16xf32>
      %parallel_loop3A_138 = vector.broadcast %parallel_loop3A_89 : f32 to vector<16xf32>
      %parallel_loop3A_139 = arith.subf %parallel_loop3A_137, %parallel_loop3A_138 : vector<16xf32>
      %parallel_loop3A_140 = arith.constant 80 : i32
      %parallel_loop3A_141 = arith.addi %parallel_loop3A_39, %parallel_loop3A_140 : i32
      %parallel_loop3A_142 = arith.index_cast %parallel_loop3A_141 : i32 to index
      %parallel_loop3A_143 = tpu.vector_load %arg7[%parallel_loop3A_142] {strides = array<i32>} : memref<16384xf32, #tpu.memory_space<vmem>>, vector<16xf32>,
      tpu.vector_store %arg7[%parallel_loop3A_142], %parallel_loop3A_139 {strides = array<i32>} : memref<16384xf32, #tpu.memory_space<vmem>>, vector<16xf32>,
      %parallel_loop3A_144 = arith.constant 2.000000e+00 : f32
      %parallel_loop3A_145 = vector.broadcast %parallel_loop3A_144 : f32 to vector<16xf32>
      %parallel_loop3A_146 = arith.mulf %parallel_loop3A_67, %parallel_loop3A_145 : vector<16xf32>
      %parallel_loop3A_147 = vector.broadcast %parallel_loop3A_89 : f32 to vector<16xf32>
      %parallel_loop3A_148 = arith.subf %parallel_loop3A_146, %parallel_loop3A_147 : vector<16xf32>
      %parallel_loop3A_149 = arith.constant 96 : i32
      %parallel_loop3A_150 = arith.addi %parallel_loop3A_39, %parallel_loop3A_149 : i32
      %parallel_loop3A_151 = arith.index_cast %parallel_loop3A_150 : i32 to index
      %parallel_loop3A_152 = tpu.vector_load %arg7[%parallel_loop3A_151] {strides = array<i32>} : memref<16384xf32, #tpu.memory_space<vmem>>, vector<16xf32>,
      tpu.vector_store %arg7[%parallel_loop3A_151], %parallel_loop3A_148 {strides = array<i32>} : memref<16384xf32, #tpu.memory_space<vmem>>, vector<16xf32>,
      %parallel_loop3A_153 = arith.constant 2.000000e+00 : f32
      %parallel_loop3A_154 = vector.broadcast %parallel_loop3A_153 : f32 to vector<16xf32>
      %parallel_loop3A_155 = arith.mulf %parallel_loop3A_71, %parallel_loop3A_154 : vector<16xf32>
      %parallel_loop3A_156 = vector.broadcast %parallel_loop3A_89 : f32 to vector<16xf32>
      %parallel_loop3A_157 = arith.subf %parallel_loop3A_155, %parallel_loop3A_156 : vector<16xf32>
      %parallel_loop3A_158 = arith.constant 112 : i32
      %parallel_loop3A_159 = arith.addi %parallel_loop3A_39, %parallel_loop3A_158 : i32
      %parallel_loop3A_160 = arith.index_cast %parallel_loop3A_159 : i32 to index
      %parallel_loop3A_161 = tpu.vector_load %arg7[%parallel_loop3A_160] {strides = array<i32>} : memref<16384xf32, #tpu.memory_space<vmem>>, vector<16xf32>,
      tpu.vector_store %arg7[%parallel_loop3A_160], %parallel_loop3A_157 {strides = array<i32>} : memref<16384xf32, #tpu.memory_space<vmem>>, vector<16xf32>,
    } {sc.loop_unroll_factor = 3 : i64, sc.parallel_access}
    %add3A_27 = arith.constant 1032192 : i32
    %add3A_28 = arith.addi %mul3A_4, %add3A_27 : i32
    %dma_start3A_29 = tpu.memref_slice %arg3[%add3A_28] : memref<33554432xf32, #tpu.memory_space<hbm>> -> memref<16384xf32, #tpu.memory_space<hbm>>
    %dma_start3A_30 = tpu.memref_slice %arg3[%add3A_28] : memref<33554432xf32, #tpu.memory_space<hbm>> -> memref<16384xf32, #tpu.memory_space<hbm>>
    tpu.enqueue_dma source(%arg7 : memref<16384xf32, #tpu.memory_space<vmem>>) target(%dma_start3A_30 : memref<16384xf32, #tpu.memory_space<hbm>>) target_semaphore(%arg13 : memref<!tpu.dma_semaphore, #tpu.memory_space<semaphore_mem>>)
    %dma_wait3A_31 = tpu.memref_slice %arg3[%mul3A_4] : memref<33554432xf32, #tpu.memory_space<hbm>> -> memref<16384xf32, #tpu.memory_space<hbm>>
    %dma_wait3A_32 = tpu.memref_slice %arg3[%mul3A_4] : memref<33554432xf32, #tpu.memory_space<hbm>> -> memref<16384xf32, #tpu.memory_space<hbm>>
    tpu.wait_dma2 semaphore(%arg14 : memref<!tpu.dma_semaphore, #tpu.memory_space<semaphore_mem>>) src(%arg8 : memref<16384xf32, #tpu.memory_space<vmem>>) dst(%dma_wait3A_32 : memref<16384xf32, #tpu.memory_space<hbm>>)
    %dma_wait3A_33 = tpu.memref_slice %arg3[%mul3A_4] : memref<33554432xf32, #tpu.memory_space<hbm>> -> memref<16384xf32, #tpu.memory_space<hbm>>
    %dma_wait3A_34 = tpu.memref_slice %arg3[%mul3A_4] : memref<33554432xf32, #tpu.memory_space<hbm>> -> memref<16384xf32, #tpu.memory_space<hbm>>
    tpu.wait_dma2 semaphore(%arg15 : memref<!tpu.dma_semaphore, #tpu.memory_space<semaphore_mem>>) src(%arg9 : memref<16384xf32, #tpu.memory_space<vmem>>) dst(%dma_wait3A_34 : memref<16384xf32, #tpu.memory_space<hbm>>)
    %dma_wait3A_35 = tpu.memref_slice %arg3[%mul3A_4] : memref<33554432xf32, #tpu.memory_space<hbm>> -> memref<16384xf32, #tpu.memory_space<hbm>>
    %dma_wait3A_36 = tpu.memref_slice %arg3[%mul3A_4] : memref<33554432xf32, #tpu.memory_space<hbm>> -> memref<16384xf32, #tpu.memory_space<hbm>>
    tpu.wait_dma2 semaphore(%arg13 : memref<!tpu.dma_semaphore, #tpu.memory_space<semaphore_mem>>) src(%arg7 : memref<16384xf32, #tpu.memory_space<vmem>>) dst(%dma_wait3A_36 : memref<16384xf32, #tpu.memory_space<hbm>>)
    return
  }
}

</mosaic_0001>

<sc_bundles>
// kernel: kernel.3.cloned.1.call-start
scs
__scs_entry_jumppad:
0x0: {  	(pc) =	sbr.rel $0x88, $3  }
0x1: {  	(tag) =	ssettag $0x0;
	lr =	simm.s32 $0x1  }
0x2: {  	[smem:$0x3FA0] =	sst lr;
	_ =	strace $0xD0000000  }
0x3: {  	_ = 	snop  }
0x4: {  	_ = 	snop  }
0x5: {  	_ = 	snop  }
0x6: {  	_ = 	snop  }
0x7: {  	_ = 	snop  }
__scs_overlays_trampoline_lowered:
0x8: {  	[smem:$0x3FAF] =	sst s0  }
0x9: {  	[smem:$0x3FB0] =	sst s1  }
0xa: {  	[smem:$0x3FB1] =	sst s2  }
0xb: {  	[smem:$0x3FB2] =	sst s3  }
0xc: {  	[smem:$0x3FB3] =	sst s4  }
0xd: {  	[smem:$0x3FB4] =	sst s5  }
0xe: {  	[smem:$0x3FB5] =	sst s6  }
0xf: {  	[smem:$0x3FB6] =	sst s7  }
0x10: {  	[smem:$0x3FB7] =	sst s8  }
0x11: {  	[smem:$0x3FB8] =	sst s9;
	s0 =	simm.s32 @!p0 $0x0  }
0x12: {  	s1 =	sld [smem:$0x3F9E];
	s0 =	simm.s32 @p0 $0x1  }
0x13: {  	[smem:$0x3FB9] =	sst s0;
	s0 =	simm.s32 @!p1 $0x0  }
0x14: {  	s2 =	sld [smem:$0x3F9D];
	s0 =	simm.s32 @p1 $0x1  }
0x15: {  	[smem:$0x3FBA] =	sst s0;
	s0 =	simm.s32 @!p2 $0x0  }
0x16: {  	s3 =	sld [smem:$0x3FDB];
	s0 =	simm.s32 @p2 $0x1  }
0x17: {  	s4 =	simm.s32 $0x1BF5;
	[smem:$0x3FBC] =	sst s0  }
0x18: {  	s0 =	sld [smem:$0x3F9F];
	_ =	swait.ge [sflag:s4], $0x0  }
0x19: {  	s7 =	sld [smem:$0x3FA0]  }
0x1a: {  	s8 =	sadd.s32 $0xFFFFE003, lr  }
0x1b: {  	s9 =	sadd.s32 $0xFFFFFEF7, lr;
	s5 =	simm.s32 $0xFFFFFFFF;
	p2 =	slt.u32 s8, $0xFFFFF086  }
0x1c: {  	p1 =	slt.u32 s9, $0xF7A;
	s5 =	simm.s32 @!p2 $0x0  }
0x1d: {  	s5 =	simm.s32 @p1 $0x1;
	p0 =	seq.s32 s7, s2  }
0x1e: {  	s7 =	smul.u32 @!p0 $0xF7A, s2;
	p2 =	seq.s32 @!p0 s5, $0x0  }
0x1f: {  	s9 =	smul.u32 $0xF7A, s1;
	s8 =	simm.s32 @!p0 $0x1BF5;
	p2 =	por !p2, p0  }
0x20: {  	[sflag:s8] =	ssyncset.s32 @!p0 $0xFFFFF086;
	s6 =	sadd.s32 @!p0 s3, s7;
	s7 =	simm.s32 @!p0 $0x108  }
0x21: {  	s3 =	sadd.s32 s3, s9;
	s6 =	sadd.s32 @!p0 $0x88, s6;
	s7 =	simm.s32 @p2 $0x1082  }
0x22: {  	[simem:s7], [sflag:s8] =	dma.local @!p0 [hbm:s6], $0xF7A  }
0x23: {  	s9 =	sor.u32 $0xD0000000, s2;
	s6 =	simm.s32 $0x108;
	_ =	swait.ge @!p0 [sflag:s8], $0x0  }
0x24: {  	s3 =	sadd.s32 $0x88, s3;
	s6 =	simm.s32 @!p1 $0x1082;
	[sflag:s4] =	ssyncset.s32 $0xFFFFF086  }
0x25: {  	[simem:s6], [sflag:s4] =	dma.local [hbm:s3], $0xF7A  }
0x26: {  	[smem:$0x3FA0] =	sst s1;
	(tag) =	ssettag s2;
	_ =	strace s9  }
0x27: {  	s1 =	sld [smem:$0x3FB0]  }
0x28: {  	s2 =	sld [smem:$0x3FB1]  }
0x29: {  	s4 =	sld [smem:$0x3FB3]  }
0x2a: {  	p0 =	seq.s32 s5, $0x0;
	s5 =	sld [smem:$0x3FB4]  }
0x2b: {  	s6 =	sld [smem:$0x3FB5]  }
0x2c: {  	s7 =	sld [smem:$0x3FB6]  }
0x2d: {  	s3 =	simm.s32 $0x108;
	s8 =	sld [smem:$0x3FB7]  }
0x2e: {  	s3 =	simm.s32 @!p0 $0x1082;
	s9 =	sld [smem:$0x3FB8]  }
0x2f: {  	lr =	sadd.s32 s0, s3;
	s0 =	sld [smem:$0x3FAF]  }
0x30: {  	s3 =	sld [smem:$0x3FB2]  }
0x31: {  	[smem:$0x3FBB] =	sst s10  }
0x32: {  	s10 =	sld [smem:$0x3FB9];
	_ =	sdelay $0x3  }
0x33: {  	p0 =	seq.s32 s10, $0x1;
	s10 =	sld [smem:$0x3FBB];
	_ =	sdelay $0x3  }
0x34: {  	[smem:$0x3FBB] =	sst s10  }
0x35: {  	s10 =	sld [smem:$0x3FBA];
	_ =	sdelay $0x3  }
0x36: {  	p1 =	seq.s32 s10, $0x1;
	s10 =	sld [smem:$0x3FBB];
	_ =	sdelay $0x3  }
0x37: {  	[smem:$0x3FBB] =	sst s10  }
0x38: {  	s10 =	sld [smem:$0x3FBC]  }
0x39: {  	_ = 	snop;
	(pc) =	sbr.ind lr, $3  }
0x3a: {  	_ = 	snop  }
0x3b: {  	_ = 	snop  }
0x3c: {  	p2 =	seq.s32 s10, $0x1;
	s10 =	sld [smem:$0x3FBB]  }
0x3d: {  	_ =	shalt  }
0x3e: {  	_ =	shalt  }
0x3f: {  	_ =	shalt  }
0x40: {  	_ =	shalt  }
0x41: {  	_ =	shalt  }
0x42: {  	_ =	shalt  }
0x43: {  	_ =	shalt  }
0x44: {  	_ =	shalt  }
0x45: {  	_ =	shalt  }
0x46: {  	_ =	shalt  }
0x47: {  	_ =	shalt  }
0x48: {  	_ =	shalt  }
0x49: {  	_ =	shalt  }
0x4a: {  	_ =	shalt  }
0x4b: {  	_ =	shalt  }
0x4c: {  	_ =	shalt  }
0x4d: {  	_ =	shalt  }
0x4e: {  	_ =	shalt  }
0x4f: {  	_ =	shalt  }
0x50: {  	_ =	shalt  }
0x51: {  	_ =	shalt  }
0x52: {  	_ =	shalt  }
0x53: {  	_ =	shalt  }
0x54: {  	_ =	shalt  }
0x55: {  	_ =	shalt  }
0x56: {  	_ =	shalt  }
0x57: {  	_ =	shalt  }
0x58: {  	_ =	shalt  }
0x59: {  	_ =	shalt  }
0x5a: {  	_ =	shalt  }
0x5b: {  	_ =	shalt  }
0x5c: {  	_ =	shalt  }
0x5d: {  	_ =	shalt  }
0x5e: {  	_ =	shalt  }
0x5f: {  	_ =	shalt  }
0x60: {  	_ =	shalt  }
0x61: {  	_ =	shalt  }
0x62: {  	_ =	shalt  }
0x63: {  	_ =	shalt  }
0x64: {  	_ =	shalt  }
0x65: {  	_ =	shalt  }
0x66: {  	_ =	shalt  }
0x67: {  	_ =	shalt  }
0x68: {  	_ =	shalt  }
0x69: {  	_ =	shalt  }
0x6a: {  	_ =	shalt  }
0x6b: {  	_ =	shalt  }
0x6c: {  	_ =	shalt  }
0x6d: {  	_ =	shalt  }
0x6e: {  	_ =	shalt  }
0x6f: {  	_ =	shalt  }
0x70: {  	_ =	shalt  }
0x71: {  	_ =	shalt  }
0x72: {  	_ =	shalt  }
0x73: {  	_ =	shalt  }
0x74: {  	_ =	shalt  }
0x75: {  	_ =	shalt  }
0x76: {  	_ =	shalt  }
0x77: {  	_ =	shalt  }
0x78: {  	_ =	shalt  }
0x79: {  	_ =	shalt  }
0x7a: {  	_ =	shalt  }
0x7b: {  	_ =	shalt  }
0x7c: {  	_ =	shalt  }
0x7d: {  	_ =	shalt  }
0x7e: {  	_ =	shalt  }
0x7f: {  	_ =	shalt  }
0x80: {  	_ =	shalt  }
0x81: {  	_ =	shalt  }
0x82: {  	_ =	shalt  }
0x83: {  	_ =	shalt  }
0x84: {  	_ =	shalt  }
0x85: {  	_ =	shalt  }
0x86: {  	_ =	shalt  }
0x87: {  	_ =	shalt  }
.Lfunc_end0:
.L_simem_size_0:
called_computation_lowered:
.L_overlay_start_0:
0x88: {  	s2 =	sld [smem:$0x3FD9]  }
0x89: {  	s3 =	sld [smem:$0x3FFE];
	_ =	sdelay $0x1  }
0x8a: {  	s1 =	srdreg.scid  }
0x8b: {  	s0 =	sand.u32 $0x1, s1  }
0x8c: {  	s18 =	sshll.u32 s0, $0xA;
	s2 =	sadd.s32 s3, s2  }
0x8d: {  	s2 =	sadd.s32 s2, s18  }
0x8e: {  	[smem:$0x3FC7] =	sst s2  }
0x8f: {  	_ = 	snop  }
0x90: {  	s2 =	sld [smem:$0x3FC9]  }
0x91: {  	s19 =	sld [smem:$0x3FD0];
	(tm) =	ssettm $0x1  }
0x92: {  	s4 =	sld [smem:$0x3FFB];
	_ =	sdelay $0x3  }
0x93: {  	_ =	strace s4  }
0x94: {  	s4 =	sld [smem:$0x3FFC];
	_ =	sdelay $0x3  }
0x95: {  	_ =	strace s4  }
0x96: {  	s4 =	sld [smem:$0x3FFD];
	_ =	sdelay $0x3  }
0x97: {  	_ =	strace s4  }
0x98: {  	_ =	strace $0x8FFFFFFF  }
0x99: {  	s20 =	sld [smem:$0x3FDB];
	_ =	sdelay $0x1  }
0x9a: {  	s5 =	simm.s32 $_scs_section_size  }
0x9b: {  	s6 =	simm.s32 $_size__tile_overlayer_lowered;
	s7 =	simm.s32 $_tile_overlayer_lowered  }
0x9c: {  	s23 =	simm.s32 $0x1BFF;
	s22 =	sshll.u32 s7, $0x1;
	s4 =	sadd.s32 s5, s20  }
0x9d: {  	s8 =	simm.s32 $0x0;
	s21 =	sshll.u32 s6, $0x1;
	s6 =	sadd.s32 s22, s4  }
0x9e: {  	[timem:s8], [sflag:s23] =	dma.local [hbm:s6], s21  }
0x9f: {  	_ =	swait.ge [sflag:s23], s21  }
0xa0: {  	s5 =	ssub.s32 $0x0, s21;
	[sflag:s23] =	ssyncset.done $0x0  }
0xa1: {  	[sflag:s23] =	ssyncadd.s32 s5;
	_ =	sdelay $0x1  }
0xa2: {  	s24 =	simm.s32 $0x1B8B  }
0xa3: {  	_ =	swait.ge [sflag:s24], $0x1  }
0xa4: {  	[sflag:s24] =	ssyncset.done $0x0  }
0xa5: {  	s25 =	simm.s32 $0x1B8E;
	[sflag:s24] =	ssyncadd.s32 $0xFFFFFFFF  }
0xa6: {  	s26 =	simm.s32 $execute0_lowered;
	[smem:$0x3FD2] =	sst s25  }
0xa7: {  	s5 =	sshll.u32 s26, $0x1;
	_ =	strace $0x80000046;
	[dreg:$0x1] =	wrdreg $0xFFFFFFFF  }
0xa8: {  	s28 =	simm.s32 $_size_execute0_lowered;
	s4 =	sadd.s32 s4, s5;
	[dreg:$0x0] =	wrdreg $0x0  }
0xa9: {  	s5 =	sshll.u32 s28, $0x1;
	[dreg:$0x2] =	wrdreg s4  }
0xaa: {  	[dreg:$0x3] =	wrdreg s5  }
0xab: {  	[dreg:$0x4] =	wrdreg $0xC0  }
0xac: {  	_ =	task [dreg:s8], $0x5FFFF  }
0xad: {  	[dreg:$0x1] =	wrdreg $0xFFFFFFFF  }
0xae: {  	[dreg:$0x0] =	wrdreg $0x60  }
0xaf: {  	[dreg:$0x2] =	wrdreg s2  }
0xb0: {  	[dreg:$0x3] =	wrdreg s19  }
0xb1: {  	[dreg:$0x4] =	wrdreg $0x9  }
0xb2: {  	_ =	task.clear_ibuf [dreg:s8], $0x5FFFF;
	_ =	strace $0x90000046  }
0xb3: {  	s29 =	simm.s32 $0x9;
	_ =	strace $0x80000048  }
0xb4: {  	_ =	swait.ge [sflag:s29], $0x1  }
0xb5: {  	[sflag:s29] =	ssyncadd.s32 $0xFFFFFFFF  }
0xb6: {  	_ =	strace $0x90000048  }
0xb7: {  	_ =	sfence  }
0xb8: {  	s30 =	sld [smem:$0x0];
	_ =	sdelay $0x2  }
0xb9: {  	s31 =	sshll.u32 s1, $0xD;
	s1 =	sshrl.u32 s1, $0x2  }
0xba: {  	s3 =	sand.u32 $0x4000, s31;
	s1 =	sadd.s32 s1, s30  }
0xbb: {  	s0 =	sor.u32 s3, s0;
	s1 =	sshll.u32 s1, $0x11  }
0xbc: {  	s0 =	sor.u32 s1, s0  }
0xbd: {  	s0 =	sadd.s32 $0x8F2B, s0  }
0xbe: {  	[sflag:s0] =	ssyncadd.remote.s32 $0x1  }
0xbf: {  	_ =	sfence.sel $0xFFFF  }
0xc0: {  	[dreg:$0x0] =	wrdreg $0xFFFFFFFF;
	(pc) =	sbr.abs _section_cstart, $3  }
0xc1: {  	[dreg:$0x1] =	wrdreg $0xFFFFFFFF  }
0xc2: {  	_ =	task.clear_ibuf [dreg:s8], $0x2FFFF;
	_ =	strace $0x9FFFFFFF  }
0xc3: {  	(tm) =	ssettm $0x7FFFFFFF  }
tec
execute0_lowered:
.L_overlay_start_1:
0x0: {  	(tag) =	ssettag $0x1  }
0x1: {  	s0 =	srdreg.scid;
	s2 =	rddreg [dreg:$0x0]  }
0x2: {  	s4 =	stileid.u32;
	s3 =	rddreg [dreg:$0x1];
	s5 =	simm.s32 $0x0  }
0x3: {  	s16 =	simm.s32 $0x4000;
	s17 =	simm.s32 $0x8000;
	s18 =	simm.s32 $0x1  }
0x4: {  	s19 =	simm.s32 $0xC000;
	s20 =	simm.s32 $0x2;
	s21 =	simm.s32 $0x10000  }
0x5: {  	s22 =	simm.s32 $0x3;
	s23 =	simm.s32 $0x6;
	s24 =	simm.s32 $0x14000  }
0x6: {  	s25 =	simm.s32 $0x4;
	s26 =	simm.s32 $0x5;
	s0 =	sand.u32 $0x1, s0  }
0x7: {  	s28 =	simm.s32 $0x0;
	s4 =	sshll.u32 s4, $0x14;
	s1 =	sshll.u32 s0, $0x18  }
0x8: {  	[smem:$0x7FF] =	sst s5;
	s0 =	ssub.s32 $0x2, s0;
	s4 =	sor.u32 s4, s1  }
0x9: {  	_ =	strace $0x80000047;
	s7 =	sshrl.u32 s0, $0x1;
	s1 =	sshrl.u32 s4, $0x3  }
0xa: {  	s0 =	ssub.s32 s0, s7;
	s9 =	sor.u32 $0xC000, s4;
	s6 =	sadd.s32 s2, s1  }
0xb: {  	s10 =	sor.u32 $0x4000, s4;
	s11 =	sor.u32 $0x10000, s4;
	s30 =	sadd.s32 $0x800, s6  }
0xc: {  	s1 =	sadd.s32 s1, s3;
	s31 =	sadd.s32 $0x1000, s6;
	[dreg:$0x3] =	wrdreg s30  }
0xd: {  	s12 =	sor.u32 $0x8000, s4;
	s1 =	sadd.s32 $0x1F800, s1;
	[dreg:$0x4] =	wrdreg s31  }
0xe: {  	s13 =	sor.u32 $0x14000, s4;
	s15 =	smax.u32 s0, $0x1;
	[dreg:$0x5] =	wrdreg s1  }
.LBB2_1:
0xf: {  	[tilespmem:s5], [sflag:$0x1] =	stream.linear.gather [hbm4b:s6+s5], $0x4000, $0x38;
	[tilespmem:$0x18000] =	vst v63  }
0x10: {  	s0 =	rddreg [dreg:$0x3]  }
0x11: {  	[tilespmem:s16], [sflag:$0x2] =	stream.linear.gather [hbm4b:s0+s5], $0x4000, $0x38;
	[tilespmem:$0x18000] =	vst v63  }
0x12: {  	s31 =	rddreg [dreg:$0x4];
	s29 =	simm.s32 $0x0  }
0x13: {  	[tilespmem:s17], [sflag:$0x3] =	stream.linear.gather [hbm4b:s31+s5], $0x4000, $0x38;
	[tilespmem:$0x18000] =	vst v63  }
.LBB2_2:
0x14: {  	_ =	swait.ge [sflag:s18], $0x4000  }
0x15: {  	p0 =	seq.s32 s29, $0x0;
	[sflag:s18] =	ssyncset.done $0x0  }
0x16: {  	s0 =	simm.s32 @!p0 $0x4;
	[sflag:s18] =	ssyncadd.s32 $0xFFFFC000  }
0x17: {  	_ =	swait.ge @!p0 [sflag:s0], $0x4000  }
0x18: {  	[sflag:s0] =	ssyncset.done @!p0 $0x0  }
0x19: {  	s1 =	simm.s32 $0xC0;
	[sflag:s0] =	ssyncadd.s32 @!p0 $0xFFFFC000  }
0x1a: {  	v0 =	vld [tilespmem:s1+$0x40]  }
0x1b: {  	v1 =	vld [tilespmem:s1+$0x50]  }
0x1c: {  	v2 =	vld [tilespmem:s1+$0x60]  }
0x1d: {  	v4 =	vld [tilespmem:s1+$0x70]  }
0x1e: {  	v5 =	vld [tilespmem:s1+$0x80]  }
0x1f: {  	v6 =	vld [tilespmem:s1+$0x90]  }
0x20: {  	v8 =	vld [tilespmem:s1+$0xA0]  }
0x21: {  	v14 =	vld [tilespmem:s1+$0xB0];
	_ =	sdelay $0x3  }
0x22: {  	v11 =	vld [tilespmem:s1+$0xFFFFFF50];
	v3 =	vadd.f32 v1, v0;
	v7 =	vadd.f32 v4, v2  }
0x23: {  	v12 =	vld [tilespmem:s1+$0xFFFFFF60];
	v9 =	vadd.f32 v6, v5;
	v10 =	vadd.f32 v14, v8  }
0x24: {  	v13 =	vld [tilespmem:s1+$0xFFFFFF70]  }
0x25: {  	v15 =	vld [tilespmem:s1+$0xFFFFFF80];
	v3 =	vadd.f32 v7, v3;
	v7 =	vadd.f32 v10, v9  }
0x26: {  	v16 =	vld [tilespmem:s1+$0xFFFFFF90]  }
0x27: {  	v17 =	vld [tilespmem:s1+$0xFFFFFFA0];
	v3 =	vadd.f32 v7, v3  }
0x28: {  	v18 =	vld [tilespmem:s1+$0xFFFFFFB0]  }
0x29: {  	v24 =	vld [tilespmem:s1+$0xFFFFFF40];
	(xrf2) =	vadd.scan.msk.f32 $0xffff, v3  }
0x2a: {  	v19 =	vld [tilespmem:s1+$0xFFFFFFC0]  }
0x2b: {  	v20 =	vld [tilespmem:s1+$0xFFFFFFD0]  }
0x2c: {  	v21 =	vld [tilespmem:s1+$0xFFFFFFE0]  }
0x2d: {  	v22 =	vld [tilespmem:s1+$0xFFFFFFF0];
	v23 =	vadd.f32 v13, v12  }
0x2e: {  	v26 =	vld [tilespmem:s1+$0x0];
	v25 =	vadd.f32 v11, v24;
	v9 =	vadd.f32 v0, v0  }
0x2f: {  	v27 =	vld [tilespmem:s1+$0x30];
	v0 =	vadd.f32 v5, v5;
	v5 =	vadd.f32 v16, v15  }
0x30: {  	v7 =	vadd.f32 v1, v1;
	v1 =	vadd.f32 v4, v4;
	v4 =	vld [tilespmem:s1+$0x20]  }
0x31: {  	v10 =	vadd.f32 v18, v17;
	v3 =	vadd.f32 v2, v2;
	v2 =	vld [tilespmem:s1+$0x10]  }
0x32: {  	v40 =	vadd.f32 v11, v11;
	v41 =	vadd.f32 v12, v12  }
0x33: {  	s7 =	simm.s32 $0x240;
	v5 =	vadd.f32 v10, v5;
	v10 =	vadd.f32 v23, v25;
	v28, _, _ =	vpop (xrf2)  }
0x34: {  	v30 =	vld [tilespmem:s7+$0xA0];
	v23 =	vadd.f32 v22, v21;
	(v2sf) =	vpush v28, $0xF  }
0x35: {  	v31 =	vld [tilespmem:s7+$0xFFFFFF70];
	v5 =	vadd.f32 v5, v10;
	v29 =	vadd.f32 v27, v4  }
0x36: {  	v32 =	vld [tilespmem:s7+$0xFFFFFF80];
	v25 =	vadd.f32 v2, v26;
	v28 =	vadd.f32 v20, v19  }
0x37: {  	v33 =	vld [tilespmem:s7+$0xFFFFFF90];
	v43 =	vadd.f32 v13, v13;
	v10 =	vadd.f32 v6, v6  }
0x38: {  	v35 =	vld [tilespmem:s7+$0xFFFFFFC0];
	v11 =	vadd.f32 v29, v25;
	(xrf2) =	vadd.scan.msk.f32 $0xffff, v5;
	v6 =	vadd.f32 v23, v28  }
0x39: {  	v36 =	vld [tilespmem:s7+$0xFFFFFFD0];
	v44 =	vadd.f32 v15, v15;
	v46 =	vadd.f32 v16, v16  }
0x3a: {  	v49 =	vadd.f32 v17, v17;
	v15 =	vld [tilespmem:s7+$0x50];
	v5 =	vadd.f32 v11, v6  }
0x3b: {  	v50 =	vadd.f32 v18, v18;
	v45 =	vadd.f32 v24, v24;
	v16 =	vld [tilespmem:s7+$0x60]  }
0x3c: {  	v12 =	vadd.f32 v8, v8;
	v14 =	vadd.f32 v14, v14;
	v29 =	vld [tilespmem:s7+$0x90];
	(xrf2) =	vadd.scan.msk.f32 $0xffff, v5  }
0x3d: {  	v37 =	vadd.f32 v33, v32;
	v17 =	vadd.f32 v19, v19;
	v19 =	vld [tilespmem:s7+$0x80]  }
0x3e: {  	v62 =	vadd.f32 v36, v35;
	v39 =	vadd.f32 v35, v35;
	v18 =	vld [tilespmem:s7+$0x70]  }
0x3f: {  	v25 =	vadd.f32 v20, v20;
	v20 =	vadd.f32 v26, v26;
	v28 =	vld [tilespmem:s7+$0x40]  }
0x40: {  	v13 =	vld [tilespmem:s7+$0xB0];
	v26 =	vadd.f32 v4, v4;
	v4 =	vadd.f32 v15, v15  }
0x41: {  	v38 =	vld [tilespmem:s7+$0xFFFFFFE0];
	v23 =	vadd.f32 v21, v21;
	v21 =	vadd.f32 v2, v2  }
0x42: {  	v51 =	vld [tilespmem:s7+$0xFFFFFFF0];
	v11 =	vadd.f32 v19, v19;
	v19 =	vadd.f32 v29, v19;
	v6, _, _ =	vpop (xrf2)  }
0x43: {  	v24 =	vld [tilespmem:s7+$0xFFFFFF60];
	v5 =	vadd.f32 v16, v16;
	s1 =	spop (v2sf);
	(v2sf) =	vpush v6, $0xF  }
0x44: {  	v16 =	vadd.f32 v18, v16;
	v15 =	vadd.f32 v15, v28  }
0x45: {  	v2 =	vadd.f32 v28, v28;
	v28 =	vadd.f32 v13, v30  }
0x46: {  	v52 =	vld [tilespmem:s7+$0x10];
	v8 =	vadd.f32 v18, v18;
	v15 =	vadd.f32 v16, v15;
	v18, _, _ =	vpop (xrf2)  }
0x47: {  	v16 =	vadd.f32 v28, v19;
	(v2sf) =	vpush v18, $0xF  }
0x48: {  	v34 =	vld [tilespmem:s7+$0xFFFFFFB0];
	v56 =	vadd.f32 v51, v38;
	v47 =	vadd.f32 v31, v24  }
0x49: {  	v19 =	vadd.f32 v31, v31;
	v31 =	vld [tilespmem:s7+$0x0];
	v16 =	vadd.f32 v16, v15  }
0x4a: {  	v35 =	vadd.f32 v38, v38;
	v6 =	vadd.f32 v29, v29;
	v29 =	vld [tilespmem:s7+$0xFFFFFFA0]  }
0x4b: {  	v38 =	vadd.f32 v52, v52;
	v56 =	vadd.f32 v56, v62;
	(xrf2) =	vadd.scan.msk.f32 $0xffff, v16  }
0x4c: {  	v54 =	vld [tilespmem:s7+$0x30];
	v22 =	vadd.f32 v22, v22;
	v27 =	vadd.f32 v27, v27;
	s1 =	sadd.f32 s1, s1  }
0x4d: {  	v42 =	vld [tilespmem:s7+$0xFFFFFF50];
	v30 =	vadd.f32 v30, v30;
	v15 =	vadd.f32 v32, v32  }
0x4e: {  	v55 =	vld [tilespmem:s7+$0xFFFFFF40];
	v63 =	vadd.f32 v52, v31;
	v18 =	vadd.f32 v24, v24;
	p1 =	sgt.f32 s1, $1.000000000e+01  }
0x4f: {  	s1 =	simm.f32 $1.000000000e+00;
	v61 =	vadd.f32 v34, v29;
	v16 =	vadd.f32 v29, v29;
	v29 =	vld [tilespmem:s7+$0x20]  }
0x50: {  	v24 =	vadd.f32 v33, v33;
	v33 =	vadd.f32 v31, v31;
	s1 =	simm.s32 @!p1 $0x0  }
0x51: {  	v31 =	vadd.f32 v54, v54;
	v34 =	vadd.f32 v34, v34;
	v28 =	vmov s1  }
0x52: {  	v48 =	vsub.f32 v14, v28;
	v14 =	vadd.f32 v42, v42;
	s8 =	spop (v2sf)  }
0x53: {  	v53 =	vadd.f32 v61, v37;
	v42 =	vadd.f32 v42, v55;
	s0 =	sadd.f32 s8, s8  }
0x54: {  	v37 =	vadd.f32 v36, v36;
	v60 =	vadd.f32 v54, v29  }
0x55: {  	v36 =	vadd.f32 v51, v51;
	v61, _, _ =	vpop (xrf2);
	v47 =	vadd.f32 v47, v42;
	p1 =	sgt.f32 s0, $1.000000000e+01  }
0x56: {  	v51 =	vadd.f32 v60, v63;
	(v2sf) =	vpush v61, $0xF;
	s14 =	spop (v2sf);
	s0 =	simm.f32 $1.000000000e+00  }
0x57: {  	v32 =	vadd.f32 v29, v29;
	v29 =	vadd.f32 v55, v55;
	s1 =	sadd.f32 s14, s14;
	s0 =	simm.s32 @!p1 $0x0  }
0x58: {  	v47 =	vadd.f32 v53, v47;
	v42 =	vadd.f32 v51, v56;
	v62 =	vmov s0  }
0x59: {  	s30 =	simm.s32 $0xC0C0;
	p1 =	sgt.f32 s1, $1.000000000e+01;
	v63 =	vsub.f32 v45, v62;
	v40 =	vsub.f32 v40, v62  }
0x5a: {  	[tilespmem:s30+$0xB0] =	vst v48;
	s0 =	simm.f32 $1.000000000e+00;
	v48 =	vsub.f32 v41, v62;
	v45 =	vsub.f32 v43, v62  }
0x5b: {  	(xrf2) =	vadd.scan.msk.f32 $0xffff, v47;
	s0 =	simm.s32 @!p1 $0x0;
	v47 =	vsub.f32 v44, v62;
	v44 =	vsub.f32 v46, v62;
	[tilespmem:s30+$0xFFFFFF40] =	vst v63  }
0x5c: {  	s31 =	simm.s32 $0xC0C0;
	s1 =	simm.s32 $0x3;
	v46 =	vsub.f32 v49, v62;
	v43 =	vsub.f32 v50, v62;
	v41 =	vmov s0;
	s0 =	simm.s32 $0x3C0;
	[tilespmem:s30+$0xFFFFFF50] =	vst v40  }
.LBB2_3:
0x5d: {  	v49 =	vld [tilespmem:s0+$0x40];
	[tilespmem:s30+$0xFFFFFF60] =	vst v48;
	v48 =	vsub.f32 v17, v41;
	v50 =	vsub.f32 v25, v41;
	v40 =	vmovc v34;
	v17 =	vmov v39  }
0x5e: {  	v39 =	vsub.f32 v23, v41;
	v25 =	vmovc v37;
	v34 =	vld [tilespmem:s0+$0x50];
	(xrf2) =	vadd.scan.msk.f32 $0xffff, v42;
	[tilespmem:s30+$0xFFFFFF70] =	vst v45;
	v42 =	vsub.f32 v22, v41  }
0x5f: {  	v23 =	vmovc v35;
	v45 =	vsub.f32 v20, v41;
	v22 =	vmov v36;
	v37 =	vld [tilespmem:s0+$0x60];
	[tilespmem:s30+$0xFFFFFF80] =	vst v47;
	v47 =	vsub.f32 v21, v41  }
0x60: {  	v36 =	vsub.f32 v26, v41;
	v20 =	vmovc v33;
	v21 =	vmov v38;
	v35 =	vld [tilespmem:s0+$0x70];
	[tilespmem:s30+$0xFFFFFF90] =	vst v44;
	v44 =	vsub.f32 v27, v41  }
0x61: {  	v38 =	vsub.f32 v9, v28;
	v9 =	vmovc v2;
	v33 =	vld [tilespmem:s0+$0x80];
	[tilespmem:s30+$0xFFFFFFA0] =	vst v46;
	v46 =	vsub.f32 v7, v28;
	v7 =	vmov v4  }
0x62: {  	v26 =	vmovc v32;
	v51 =	vld [tilespmem:s0+$0x90];
	v2 =	vadd.f32 v49, v49;
	[tilespmem:s30+$0xFFFFFFB0] =	vst v43;
	v43 =	vsub.f32 v3, v28;
	v3 =	vmov v5  }
0x63: {  	v32 =	vsub.f32 v1, v28;
	v1 =	vmovc v8;
	v27 =	vmov v31;
	v41 =	vld [tilespmem:s0+$0xA0];
	v4 =	vadd.f32 v34, v34;
	[tilespmem:s30+$0xFFFFFFC0] =	vst v48  }
0x64: {  	s1 =	sadd.s32 $0x3, s1;
	v48 =	vsub.f32 v0, v28;
	v0 =	vmov v11;
	v31 =	vld [tilespmem:s0+$0xB0];
	v5 =	vadd.f32 v37, v37;
	[tilespmem:s30+$0xFFFFFFD0] =	vst v50  }
0x65: {  	p1 =	slt.u32 s1, $0x7B;
	v50 =	vld [tilespmem:s0+$0xFFFFFF50];
	v8 =	vadd.f32 v35, v35;
	v52, _, _ =	vpop (xrf2);
	s7 =	spop (v2sf);
	[tilespmem:s30+$0xFFFFFFE0] =	vst v39;
	v39 =	vsub.f32 v10, v28;
	v10 =	vmov v6  }
0x66: {  	v53 =	vld [tilespmem:s0+$0xFFFFFF60];
	v11 =	vadd.f32 v33, v33;
	s7 =	sadd.f32 s7, s7;
	(v2sf) =	vpush v52, $0xF;
	[tilespmem:s30+$0xFFFFFFF0] =	vst v42  }
0x67: {  	v42 =	vld [tilespmem:s0+$0xFFFFFF70];
	v6 =	vadd.f32 v51, v51;
	[tilespmem:s30+$0x0] =	vst v45;
	v45 =	vsub.f32 v12, v28;
	v12 =	vmov v30  }
0x68: {  	v28 =	vadd.f32 v34, v49;
	v34 =	vadd.f32 v35, v37;
	v30 =	vld [tilespmem:s0+$0xFFFFFF80];
	p2 =	sgt.f32 s7, $1.000000000e+01;
	v35, _, _ =	vpop (xrf2);
	[tilespmem:s30+$0x10] =	vst v47  }
0x69: {  	v33 =	vadd.f32 v51, v33;
	s7 =	simm.f32 $1.000000000e+00;
	v37 =	vld [tilespmem:s0+$0xFFFFFF90];
	v47 =	vadd.f32 v31, v41;
	[tilespmem:s30+$0x20] =	vst v36  }
0x6a: {  	v49 =	vadd.f32 v13, v13;
	v13 =	vmov v31;
	v36 =	vld [tilespmem:s0+$0xFFFFFFA0];
	s7 =	simm.s32 @!p2 $0x0;
	(v2sf) =	vpush v35, $0xF;
	[tilespmem:s30+$0x30] =	vst v44  }
0x6b: {  	v34 =	vadd.f32 v34, v28;
	v31 =	vld [tilespmem:s0+$0xFFFFFFB0];
	v33 =	vadd.f32 v47, v33;
	v28 =	vmov s7;
	[tilespmem:s30+$0x40] =	vst v38  }
0x6c: {  	v44 =	vadd.f32 v42, v53;
	v35 =	vld [tilespmem:s0+$0xFFFFFFC0];
	v38 =	vsub.f32 v49, v28;
	[tilespmem:s30+$0x50] =	vst v46  }
0x6d: {  	v46 =	vadd.f32 v50, v50;
	s30 =	sadd.s32 $0x180, s30;
	v47 =	vld [tilespmem:s0+$0xFFFFFFD0];
	v33 =	vadd.f32 v33, v34;
	[tilespmem:s31+$0x60] =	vst v43  }
0x6e: {  	v49 =	vadd.f32 v53, v53;
	v43 =	vadd.f32 v37, v30;
	v51 =	vld [tilespmem:s0+$0xFFFFFFE0];
	[tilespmem:s30+$0xB0] =	vst v38  }
0x6f: {  	v52 =	vadd.f32 v42, v42;
	v53 =	vadd.f32 v30, v30;
	v30 =	vld [tilespmem:s0+$0xFFFFFFF0];
	(xrf2) =	vadd.scan.msk.f32 $0xffff, v33;
	[tilespmem:s31+$0x70] =	vst v32  }
0x70: {  	v54 =	vadd.f32 v37, v37;
	v32 =	vadd.f32 v31, v36;
	v38 =	vld [tilespmem:s0+$0x0];
	[tilespmem:s31+$0x80] =	vst v48  }
0x71: {  	v55 =	vadd.f32 v36, v36;
	v34 =	vadd.f32 v31, v31;
	v31 =	vld [tilespmem:s0+$0x10];
	[tilespmem:s31+$0x90] =	vst v39  }
0x72: {  	v43 =	vadd.f32 v32, v43;
	v42 =	vld [tilespmem:s0+$0x20];
	v32 =	vadd.f32 v47, v35;
	[tilespmem:s31+$0xA0] =	vst v45;
	s31 =	smov.u32 s30  }
0x73: {  	v39 =	vadd.f32 v35, v35;
	v37 =	vadd.f32 v47, v47;
	v45 =	vld [tilespmem:s0+$0x30]  }
0x74: {  	v35 =	vadd.f32 v51, v51;
	v47 =	vld [tilespmem:s0+$0xFFFFFF40];
	v48 =	vadd.f32 v30, v51  }
0x75: {  	v36 =	vadd.f32 v30, v30;
	v33 =	vadd.f32 v38, v38;
	s7 =	spop (v2sf)  }
0x76: {  	v30 =	vadd.f32 v31, v38;
	v48 =	vadd.f32 v48, v32;
	s7 =	sadd.f32 s7, s7  }
0x77: {  	v38 =	vadd.f32 v31, v31;
	v32 =	vadd.f32 v42, v42  }
0x78: {  	v42 =	vadd.f32 v45, v42;
	v31 =	vadd.f32 v45, v45;
	p2 =	sgt.f32 s7, $1.000000000e+01  }
0x79: {  	s8 =	simm.f32 $1.000000000e+00;
	v45 =	vadd.f32 v50, v47;
	v47 =	vadd.f32 v47, v47;
	v50, _, _ =	vpop (xrf2);
	s7 =	spop (v2sf)  }
0x7a: {  	v42 =	vadd.f32 v42, v30;
	(v2sf) =	vpush v50, $0xF;
	s8 =	simm.s32 @!p2 $0x0;
	s7 =	sadd.f32 s7, s7  }
0x7b: {  	v30 =	vadd.f32 v41, v41;
	v44 =	vadd.f32 v44, v45;
	v50 =	vmov s8  }
.Ltmp0:
0x7c: {  	v42 =	vadd.f32 v42, v48;
	v41 =	vsub.f32 v29, v50;
	p2 =	sgt.f32 s7, $1.000000000e+01;
	v29 =	vmov v47;
	(pc) =	sbr.rel @p1 .LBB2_3-.Ltmp0, $4  }
0x7d: {  	v51 =	vsub.f32 v14, v50;
	v14 =	vmov v46;
	s7 =	simm.f32 $1.000000000e+00;
	v43 =	vadd.f32 v43, v44  }
0x7e: {  	v48 =	vsub.f32 v18, v50;
	v45 =	vsub.f32 v19, v50;
	v18 =	vmovc v49;
	v19 =	vmov v52;
	[tilespmem:s30+$0xFFFFFF40] =	vst v41;
	s7 =	simm.s32 @!p2 $0x0  }
0x7f: {  	v47 =	vsub.f32 v15, v50;
	v15 =	vmovc v53;
	v44 =	vsub.f32 v24, v50;
	(xrf2) =	vadd.scan.msk.f32 $0xffff, v43;
	v41 =	vmov s7  }
0x80: {  	s0 =	sadd.s32 $0x180, s0;
	v46 =	vsub.f32 v16, v50;
	v16 =	vmovc v55;
	v24 =	vmov v54;
	v43 =	vsub.f32 v40, v50;
	[tilespmem:s30+$0xFFFFFF50] =	vst v51  }
0x81: {  	_ =	sdelay $0x3  }
0x82: {  	[tilespmem:s30+$0xFFFFFF60] =	vst v48  }
0x83: {  	[tilespmem:s30+$0xFFFFFF70] =	vst v45  }
0x84: {  	(xrf2) =	vadd.scan.msk.f32 $0xffff, v42;
	[tilespmem:s30+$0xFFFFFF80] =	vst v47  }
0x85: {  	[tilespmem:s30+$0xFFFFFF90] =	vst v44  }
0x86: {  	v17 =	vsub.f32 v17, v41;
	[tilespmem:s30+$0xFFFFFFA0] =	vst v46;
	v40, _, _ =	vpop (xrf2)  }
0x87: {  	v25 =	vsub.f32 v25, v41;
	[tilespmem:s30+$0xFFFFFFB0] =	vst v43;
	(v2sf) =	vpush v40, $0xF  }
0x88: {  	v23 =	vsub.f32 v23, v41;
	[tilespmem:s30+$0xFFFFFFC0] =	vst v17  }
0x89: {  	v61 =	vsub.f32 v22, v41;
	[tilespmem:s30+$0xFFFFFFD0] =	vst v25  }
0x8a: {  	v20 =	vsub.f32 v20, v41;
	[tilespmem:s30+$0xFFFFFFE0] =	vst v23  }
0x8b: {  	v21 =	vsub.f32 v21, v41;
	[tilespmem:s30+$0xFFFFFFF0] =	vst v61  }
0x8c: {  	v62 =	vsub.f32 v26, v41;
	[tilespmem:s30+$0x0] =	vst v20  }
0x8d: {  	v63 =	vsub.f32 v27, v41;
	[tilespmem:s30+$0x10] =	vst v21  }
0x8e: {  	v9 =	vsub.f32 v9, v28;
	[tilespmem:s30+$0x20] =	vst v62;
	s0 =	spop (v2sf);
	v60, _, _ =	vpop (xrf2)  }
0x8f: {  	v7 =	vsub.f32 v7, v28;
	[tilespmem:s30+$0x30] =	vst v63;
	s0 =	sadd.f32 s0, s0;
	(v2sf) =	vpush v60, $0xF  }
0x90: {  	v3 =	vsub.f32 v3, v28;
	[tilespmem:s30+$0x40] =	vst v9  }
0x91: {  	v1 =	vsub.f32 v1, v28;
	[tilespmem:s30+$0x50] =	vst v7;
	p1 =	sgt.f32 s0, $1.000000000e+01  }
0x92: {  	v0 =	vsub.f32 v0, v28;
	[tilespmem:s31+$0x60] =	vst v3;
	s0 =	simm.f32 $1.000000000e+00  }
0x93: {  	v13 =	vadd.f32 v13, v13;
	v27 =	vsub.f32 v10, v28;
	[tilespmem:s31+$0x70] =	vst v1;
	s0 =	simm.s32 @!p1 $0x0  }
0x94: {  	[tilespmem:s31+$0x80] =	vst v0;
	v40 =	vsub.f32 v12, v28;
	v25 =	vmov s0  }
0x95: {  	[tilespmem:s31+$0x90] =	vst v27;
	v26 =	vsub.f32 v13, v25  }
0x96: {  	s30 =	sadd.s32 $0x180, s30;
	[tilespmem:s31+$0xA0] =	vst v40;
	v57 =	vsub.f32 v2, v25;
	s1 =	spop (v2sf)  }
0x97: {  	v58 =	vsub.f32 v4, v25;
	[tilespmem:s30+$0xB0] =	vst v26;
	s1 =	sadd.f32 s1, s1  }
0x98: {  	v59 =	vsub.f32 v5, v25;
	[tilespmem:s30+$0x40] =	vst v57  }
0x99: {  	v60 =	vsub.f32 v8, v25;
	[tilespmem:s30+$0x50] =	vst v58;
	p1 =	sgt.f32 s1, $1.000000000e+01  }
0x9a: {  	v61 =	vsub.f32 v11, v25;
	[tilespmem:s30+$0x60] =	vst v59;
	s1 =	simm.f32 $1.000000000e+00  }
0x9b: {  	v62 =	vsub.f32 v6, v25;
	[tilespmem:s30+$0x70] =	vst v60;
	s1 =	simm.s32 @!p1 $0x0  }
0x9c: {  	v63 =	vsub.f32 v30, v25;
	[tilespmem:s30+$0x80] =	vst v61;
	v41 =	vmov s1  }
0x9d: {  	[tilespmem:s30+$0x90] =	vst v62;
	v42 =	vsub.f32 v29, v41  }
0x9e: {  	[tilespmem:s30+$0xA0] =	vst v63;
	s31 =	spop (v2sf);
	v43 =	vsub.f32 v14, v41  }
0x9f: {  	s1 =	sadd.f32 s31, s31;
	v44 =	vsub.f32 v18, v41;
	[tilespmem:s30+$0xFFFFFF40] =	vst v42  }
0xa0: {  	v45 =	vsub.f32 v19, v41;
	[tilespmem:s30+$0xFFFFFF50] =	vst v43  }
0xa1: {  	v46 =	vsub.f32 v15, v41;
	p1 =	sgt.f32 s1, $1.000000000e+01;
	[tilespmem:s30+$0xFFFFFF60] =	vst v44  }
0xa2: {  	v47 =	vsub.f32 v24, v41;
	s1 =	simm.f32 $1.000000000e+00;
	[tilespmem:s30+$0xFFFFFF70] =	vst v45  }
0xa3: {  	v48 =	vsub.f32 v16, v41;
	[tilespmem:s30+$0xFFFFFF80] =	vst v46;
	s1 =	simm.s32 @!p1 $0x0  }
0xa4: {  	v0 =	vsub.f32 v34, v41;
	[tilespmem:s30+$0xFFFFFF90] =	vst v47;
	v49 =	vmov s1  }
0xa5: {  	[tilespmem:s30+$0xFFFFFFA0] =	vst v48;
	v50 =	vsub.f32 v39, v49  }
0xa6: {  	[tilespmem:s30+$0xFFFFFFB0] =	vst v0;
	v51 =	vsub.f32 v37, v49  }
0xa7: {  	v52 =	vsub.f32 v35, v49;
	[tilespmem:s30+$0xFFFFFFC0] =	vst v50  }
0xa8: {  	v53 =	vsub.f32 v36, v49;
	[tilespmem:s30+$0xFFFFFFD0] =	vst v51  }
0xa9: {  	v54 =	vsub.f32 v33, v49;
	[tilespmem:s30+$0xFFFFFFE0] =	vst v52  }
0xaa: {  	v55 =	vsub.f32 v38, v49;
	[tilespmem:s30+$0xFFFFFFF0] =	vst v53  }
0xab: {  	v56 =	vsub.f32 v32, v49;
	[tilespmem:s30+$0x0] =	vst v54  }
0xac: {  	v1 =	vsub.f32 v31, v49;
	[tilespmem:s30+$0x10] =	vst v55  }
0xad: {  	[tilespmem:s30+$0x20] =	vst v56  }
0xae: {  	s1 =	simm.s32 $0x0;
	[tilespmem:s30+$0x30] =	vst v1  }
.LBB2_5:
0xaf: {  	s0 =	sshra.s32 s1, $0x2  }
0xb0: {  	v0 =	vld [tilespmem:s0+$0x3F00]  }
0xb1: {  	v1 =	vld [tilespmem:s0+$0x3F10]  }
0xb2: {  	v2 =	vld [tilespmem:s0+$0x3F20]  }
0xb3: {  	v3 =	vld [tilespmem:s0+$0x3F30]  }
0xb4: {  	v4 =	vld [tilespmem:s0+$0x3F40]  }
0xb5: {  	v5 =	vld [tilespmem:s0+$0x3F50]  }
0xb6: {  	v6 =	vld [tilespmem:s0+$0x3F60]  }
0xb7: {  	v7 =	vld [tilespmem:s0+$0x3F70];
	_ =	sdelay $0x3  }
0xb8: {  	v8 =	vadd.f32 v1, v0;
	v9 =	vadd.f32 v3, v2  }
0xb9: {  	v10 =	vadd.f32 v5, v4;
	v11 =	vadd.f32 v7, v6;
	_ =	sdelay $0x1  }
0xba: {  	v8 =	vadd.f32 v9, v8;
	v52 =	vadd.f32 v11, v10;
	_ =	sdelay $0x1  }
0xbb: {  	v8 =	vadd.f32 v52, v8;
	_ =	sdelay $0x1  }
0xbc: {  	(xrf2) =	vadd.scan.msk.f32 $0xffff, v8;
	_ =	sdelay $0x9  }
0xbd: {  	v8, _, _ =	vpop (xrf2)  }
0xbe: {  	(v2sf) =	vpush v8, $0xF;
	_ =	sdelay $0xe  }
0xbf: {  	s7 =	spop (v2sf)  }
0xc0: {  	s7 =	sadd.f32 s7, s7;
	_ =	sdelay $0x1  }
0xc1: {  	p1 =	sgt.f32 s7, $1.000000000e+01  }
0xc2: {  	s7 =	simm.f32 $1.000000000e+00  }
0xc3: {  	v0 =	vadd.f32 v0, v0;
	s7 =	simm.s32 @!p1 $0x0  }
0xc4: {  	v1 =	vadd.f32 v1, v1;
	v53 =	vmov s7  }
0xc5: {  	v2 =	vadd.f32 v2, v2;
	v0 =	vsub.f32 v0, v53  }
0xc6: {  	v3 =	vadd.f32 v3, v3;
	v1 =	vsub.f32 v1, v53  }
0xc7: {  	v55 =	vadd.f32 v4, v4;
	v54 =	vsub.f32 v2, v53;
	[tilespmem:s0+$0xFF00] =	vst v0  }
0xc8: {  	v57 =	vadd.f32 v5, v5;
	v56 =	vsub.f32 v3, v53;
	[tilespmem:s0+$0xFF10] =	vst v1  }
0xc9: {  	v59 =	vadd.f32 v6, v6;
	p1 =	sne.s32 s1, $0x200;
	v58 =	vsub.f32 v55, v53;
	[tilespmem:s0+$0xFF20] =	vst v54  }
.Ltmp1:
0xca: {  	v61 =	vadd.f32 v7, v7;
	v60 =	vsub.f32 v57, v53;
	[tilespmem:s0+$0xFF30] =	vst v56;
	(pc) =	sbr.rel @p1 .LBB2_5-.Ltmp1, $4  }
0xcb: {  	v62 =	vsub.f32 v59, v53;
	[tilespmem:s0+$0xFF40] =	vst v58  }
0xcc: {  	v63 =	vsub.f32 v61, v53;
	[tilespmem:s0+$0xFF50] =	vst v60  }
0xcd: {  	[tilespmem:s0+$0xFF60] =	vst v62  }
0xce: {  	s1 =	sadd.s32 $0x200, s1;
	[tilespmem:s0+$0xFF70] =	vst v63  }
0xcf: {  	s30 =	smul.u32 $0xC000, s29;
	_ =	sdelay $0x1  }
0xd0: {  	s0 =	sadd.s32 s4, s30  }
0xd1: {  	s0 =	sshrl.u32 s0, $0x3  }
0xd2: {  	s14 =	sadd.s32 s30, s9;
	s0 =	sadd.s32 s3, s0  }
0xd3: {  	[hbm4b:s0+s5] =	stream.linear.scatter [tilespmem:s19], [sflag:$0x4], $0x4000, $0x38;
	[tilespmem:$0x18000] =	vst v63  }
0xd4: {  	s0 =	sshrl.u32 s14, $0x3  }
0xd5: {  	s0 =	sadd.s32 s2, s0  }
0xd6: {  	[tilespmem:s5], [sflag:$0x1] =	stream.linear.gather [hbm4b:s0+s5], $0x4000, $0x38;
	[tilespmem:$0x18000] =	vst v63  }
0xd7: {  	_ =	swait.ge [sflag:s20], $0x4000  }
0xd8: {  	[sflag:s20] =	ssyncset.done $0x0  }
0xd9: {  	s0 =	simm.s32 @!p0 $0x5;
	[sflag:s20] =	ssyncadd.s32 $0xFFFFC000  }
0xda: {  	_ =	swait.ge @!p0 [sflag:s0], $0x4000  }
0xdb: {  	[sflag:s0] =	ssyncset.done @!p0 $0x0  }
0xdc: {  	s1 =	simm.s32 $0x40C0;
	[sflag:s0] =	ssyncadd.s32 @!p0 $0xFFFFC000  }
0xdd: {  	v0 =	vld [tilespmem:s1+$0x40]  }
0xde: {  	v1 =	vld [tilespmem:s1+$0x50]  }
0xdf: {  	v2 =	vld [tilespmem:s1+$0x60]  }
0xe0: {  	v4 =	vld [tilespmem:s1+$0x70]  }
0xe1: {  	v5 =	vld [tilespmem:s1+$0x80]  }
0xe2: {  	v6 =	vld [tilespmem:s1+$0x90]  }
0xe3: {  	v8 =	vld [tilespmem:s1+$0xA0]  }
0xe4: {  	v14 =	vld [tilespmem:s1+$0xB0];
	_ =	sdelay $0x3  }
0xe5: {  	v11 =	vld [tilespmem:s1+$0xFFFFFF50];
	v3 =	vadd.f32 v1, v0;
	v7 =	vadd.f32 v4, v2  }
0xe6: {  	v12 =	vld [tilespmem:s1+$0xFFFFFF60];
	v9 =	vadd.f32 v6, v5;
	v10 =	vadd.f32 v14, v8  }
0xe7: {  	v13 =	vld [tilespmem:s1+$0xFFFFFF70]  }
0xe8: {  	v15 =	vld [tilespmem:s1+$0xFFFFFF80];
	v3 =	vadd.f32 v7, v3;
	v7 =	vadd.f32 v10, v9  }
0xe9: {  	v16 =	vld [tilespmem:s1+$0xFFFFFF90]  }
0xea: {  	v17 =	vld [tilespmem:s1+$0xFFFFFFA0];
	v3 =	vadd.f32 v7, v3  }
0xeb: {  	v18 =	vld [tilespmem:s1+$0xFFFFFFB0]  }
0xec: {  	v24 =	vld [tilespmem:s1+$0xFFFFFF40];
	(xrf2) =	vadd.scan.msk.f32 $0xffff, v3  }
0xed: {  	v19 =	vld [tilespmem:s1+$0xFFFFFFC0]  }
0xee: {  	v20 =	vld [tilespmem:s1+$0xFFFFFFD0]  }
0xef: {  	v21 =	vld [tilespmem:s1+$0xFFFFFFE0]  }
0xf0: {  	v22 =	vld [tilespmem:s1+$0xFFFFFFF0];
	v23 =	vadd.f32 v13, v12  }
0xf1: {  	v26 =	vld [tilespmem:s1+$0x0];
	v25 =	vadd.f32 v11, v24;
	v9 =	vadd.f32 v0, v0  }
0xf2: {  	v27 =	vld [tilespmem:s1+$0x30];
	v0 =	vadd.f32 v5, v5;
	v5 =	vadd.f32 v16, v15  }
0xf3: {  	v7 =	vadd.f32 v1, v1;
	v1 =	vadd.f32 v4, v4;
	v4 =	vld [tilespmem:s1+$0x20]  }
0xf4: {  	v10 =	vadd.f32 v18, v17;
	v3 =	vadd.f32 v2, v2;
	v2 =	vld [tilespmem:s1+$0x10]  }
0xf5: {  	v40 =	vadd.f32 v11, v11;
	v41 =	vadd.f32 v12, v12  }
0xf6: {  	s7 =	simm.s32 $0x4240;
	v5 =	vadd.f32 v10, v5;
	v10 =	vadd.f32 v23, v25;
	v28, _, _ =	vpop (xrf2)  }
0xf7: {  	v30 =	vld [tilespmem:s7+$0xA0];
	v23 =	vadd.f32 v22, v21;
	(v2sf) =	vpush v28, $0xF  }
0xf8: {  	v31 =	vld [tilespmem:s7+$0xFFFFFF70];
	v5 =	vadd.f32 v5, v10;
	v29 =	vadd.f32 v27, v4  }
0xf9: {  	v32 =	vld [tilespmem:s7+$0xFFFFFF80];
	v25 =	vadd.f32 v2, v26;
	v28 =	vadd.f32 v20, v19  }
0xfa: {  	v33 =	vld [tilespmem:s7+$0xFFFFFF90];
	v43 =	vadd.f32 v13, v13;
	v10 =	vadd.f32 v6, v6  }
0xfb: {  	v35 =	vld [tilespmem:s7+$0xFFFFFFC0];
	v11 =	vadd.f32 v29, v25;
	(xrf2) =	vadd.scan.msk.f32 $0xffff, v5;
	v6 =	vadd.f32 v23, v28  }
0xfc: {  	v36 =	vld [tilespmem:s7+$0xFFFFFFD0];
	v44 =	vadd.f32 v15, v15;
	v46 =	vadd.f32 v16, v16  }
0xfd: {  	v49 =	vadd.f32 v17, v17;
	v15 =	vld [tilespmem:s7+$0x50];
	v5 =	vadd.f32 v11, v6  }
0xfe: {  	v50 =	vadd.f32 v18, v18;
	v45 =	vadd.f32 v24, v24;
	v16 =	vld [tilespmem:s7+$0x60]  }
0xff: {  	v12 =	vadd.f32 v8, v8;
	v14 =	vadd.f32 v14, v14;
	v29 =	vld [tilespmem:s7+$0x90];
	(xrf2) =	vadd.scan.msk.f32 $0xffff, v5  }
0x100: {  	v37 =	vadd.f32 v33, v32;
	v17 =	vadd.f32 v19, v19;
	v19 =	vld [tilespmem:s7+$0x80]  }
0x101: {  	v62 =	vadd.f32 v36, v35;
	v39 =	vadd.f32 v35, v35;
	v18 =	vld [tilespmem:s7+$0x70]  }
0x102: {  	v25 =	vadd.f32 v20, v20;
	v20 =	vadd.f32 v26, v26;
	v28 =	vld [tilespmem:s7+$0x40]  }
0x103: {  	v13 =	vld [tilespmem:s7+$0xB0];
	v26 =	vadd.f32 v4, v4;
	v4 =	vadd.f32 v15, v15  }
0x104: {  	v38 =	vld [tilespmem:s7+$0xFFFFFFE0];
	v23 =	vadd.f32 v21, v21;
	v21 =	vadd.f32 v2, v2  }
0x105: {  	v51 =	vld [tilespmem:s7+$0xFFFFFFF0];
	v11 =	vadd.f32 v19, v19;
	v19 =	vadd.f32 v29, v19;
	v6, _, _ =	vpop (xrf2)  }
0x106: {  	v24 =	vld [tilespmem:s7+$0xFFFFFF60];
	v5 =	vadd.f32 v16, v16;
	s1 =	spop (v2sf);
	(v2sf) =	vpush v6, $0xF  }
0x107: {  	v16 =	vadd.f32 v18, v16;
	v15 =	vadd.f32 v15, v28  }
0x108: {  	v2 =	vadd.f32 v28, v28;
	v28 =	vadd.f32 v13, v30  }
0x109: {  	v52 =	vld [tilespmem:s7+$0x10];
	v8 =	vadd.f32 v18, v18;
	v15 =	vadd.f32 v16, v15;
	v18, _, _ =	vpop (xrf2)  }
0x10a: {  	v16 =	vadd.f32 v28, v19;
	(v2sf) =	vpush v18, $0xF  }
0x10b: {  	v34 =	vld [tilespmem:s7+$0xFFFFFFB0];
	v56 =	vadd.f32 v51, v38;
	v47 =	vadd.f32 v31, v24  }
0x10c: {  	v19 =	vadd.f32 v31, v31;
	v31 =	vld [tilespmem:s7+$0x0];
	v16 =	vadd.f32 v16, v15  }
0x10d: {  	v35 =	vadd.f32 v38, v38;
	v6 =	vadd.f32 v29, v29;
	v29 =	vld [tilespmem:s7+$0xFFFFFFA0]  }
0x10e: {  	v38 =	vadd.f32 v52, v52;
	v56 =	vadd.f32 v56, v62;
	(xrf2) =	vadd.scan.msk.f32 $0xffff, v16  }
0x10f: {  	v54 =	vld [tilespmem:s7+$0x30];
	v22 =	vadd.f32 v22, v22;
	v27 =	vadd.f32 v27, v27;
	s1 =	sadd.f32 s1, s1  }
0x110: {  	v42 =	vld [tilespmem:s7+$0xFFFFFF50];
	v30 =	vadd.f32 v30, v30;
	v15 =	vadd.f32 v32, v32  }
0x111: {  	v55 =	vld [tilespmem:s7+$0xFFFFFF40];
	v63 =	vadd.f32 v52, v31;
	v18 =	vadd.f32 v24, v24;
	p1 =	sgt.f32 s1, $1.000000000e+01  }
0x112: {  	s1 =	simm.f32 $1.000000000e+00;
	v61 =	vadd.f32 v34, v29;
	v16 =	vadd.f32 v29, v29;
	v29 =	vld [tilespmem:s7+$0x20]  }
0x113: {  	v24 =	vadd.f32 v33, v33;
	v33 =	vadd.f32 v31, v31;
	s1 =	simm.s32 @!p1 $0x0  }
0x114: {  	v31 =	vadd.f32 v54, v54;
	v34 =	vadd.f32 v34, v34;
	v28 =	vmov s1  }
0x115: {  	v48 =	vsub.f32 v14, v28;
	v14 =	vadd.f32 v42, v42;
	s8 =	spop (v2sf)  }
0x116: {  	v53 =	vadd.f32 v61, v37;
	v42 =	vadd.f32 v42, v55;
	s0 =	sadd.f32 s8, s8  }
0x117: {  	v37 =	vadd.f32 v36, v36;
	v60 =	vadd.f32 v54, v29  }
0x118: {  	v36 =	vadd.f32 v51, v51;
	v61, _, _ =	vpop (xrf2);
	v47 =	vadd.f32 v47, v42;
	p1 =	sgt.f32 s0, $1.000000000e+01  }
0x119: {  	v51 =	vadd.f32 v60, v63;
	(v2sf) =	vpush v61, $0xF;
	s14 =	spop (v2sf);
	s0 =	simm.f32 $1.000000000e+00  }
0x11a: {  	v32 =	vadd.f32 v29, v29;
	v29 =	vadd.f32 v55, v55;
	s1 =	sadd.f32 s14, s14;
	s0 =	simm.s32 @!p1 $0x0  }
0x11b: {  	v47 =	vadd.f32 v53, v47;
	v42 =	vadd.f32 v51, v56;
	v62 =	vmov s0  }
0x11c: {  	s31 =	simm.s32 $0x100C0;
	p1 =	sgt.f32 s1, $1.000000000e+01;
	v63 =	vsub.f32 v45, v62;
	v40 =	vsub.f32 v40, v62  }
0x11d: {  	[tilespmem:s31+$0xB0] =	vst v48;
	s1 =	simm.f32 $1.000000000e+00;
	v48 =	vsub.f32 v41, v62;
	v45 =	vsub.f32 v43, v62  }
0x11e: {  	(xrf2) =	vadd.scan.msk.f32 $0xffff, v47;
	s1 =	simm.s32 @!p1 $0x0;
	v47 =	vsub.f32 v44, v62;
	v44 =	vsub.f32 v46, v62;
	[tilespmem:s31+$0xFFFFFF40] =	vst v63  }
0x11f: {  	s7 =	simm.s32 $0x43C0;
	s0 =	simm.s32 $0x3;
	v46 =	vsub.f32 v49, v62;
	v43 =	vsub.f32 v50, v62;
	v41 =	vmov s1;
	s1 =	simm.s32 $0x100C0;
	[tilespmem:s31+$0xFFFFFF50] =	vst v40  }
.LBB2_7:
0x120: {  	v49 =	vld [tilespmem:s7+$0x40];
	[tilespmem:s31+$0xFFFFFF60] =	vst v48;
	v48 =	vsub.f32 v17, v41;
	v50 =	vsub.f32 v25, v41;
	v40 =	vmovc v34;
	v17 =	vmov v39  }
0x121: {  	v39 =	vsub.f32 v23, v41;
	v25 =	vmovc v37;
	v34 =	vld [tilespmem:s7+$0x50];
	(xrf2) =	vadd.scan.msk.f32 $0xffff, v42;
	[tilespmem:s31+$0xFFFFFF70] =	vst v45;
	v42 =	vsub.f32 v22, v41  }
0x122: {  	v23 =	vmovc v35;
	v45 =	vsub.f32 v20, v41;
	v22 =	vmov v36;
	v37 =	vld [tilespmem:s7+$0x60];
	[tilespmem:s31+$0xFFFFFF80] =	vst v47;
	v47 =	vsub.f32 v21, v41  }
0x123: {  	v36 =	vsub.f32 v26, v41;
	v20 =	vmovc v33;
	v21 =	vmov v38;
	v35 =	vld [tilespmem:s7+$0x70];
	[tilespmem:s31+$0xFFFFFF90] =	vst v44;
	v44 =	vsub.f32 v27, v41  }
0x124: {  	v38 =	vsub.f32 v9, v28;
	v9 =	vmovc v2;
	v33 =	vld [tilespmem:s7+$0x80];
	[tilespmem:s31+$0xFFFFFFA0] =	vst v46;
	v46 =	vsub.f32 v7, v28;
	v7 =	vmov v4  }
0x125: {  	v26 =	vmovc v32;
	v51 =	vld [tilespmem:s7+$0x90];
	v2 =	vadd.f32 v49, v49;
	[tilespmem:s31+$0xFFFFFFB0] =	vst v43;
	v43 =	vsub.f32 v3, v28;
	v3 =	vmov v5  }
0x126: {  	v32 =	vsub.f32 v1, v28;
	v1 =	vmovc v8;
	v27 =	vmov v31;
	v41 =	vld [tilespmem:s7+$0xA0];
	v4 =	vadd.f32 v34, v34;
	[tilespmem:s31+$0xFFFFFFC0] =	vst v48  }
0x127: {  	s0 =	sadd.s32 $0x3, s0;
	v48 =	vsub.f32 v0, v28;
	v0 =	vmov v11;
	v31 =	vld [tilespmem:s7+$0xB0];
	v5 =	vadd.f32 v37, v37;
	[tilespmem:s31+$0xFFFFFFD0] =	vst v50  }
0x128: {  	p1 =	slt.u32 s0, $0x7B;
	v50 =	vld [tilespmem:s7+$0xFFFFFF50];
	v8 =	vadd.f32 v35, v35;
	v52, _, _ =	vpop (xrf2);
	s8 =	spop (v2sf);
	[tilespmem:s31+$0xFFFFFFE0] =	vst v39;
	v39 =	vsub.f32 v10, v28;
	v10 =	vmov v6  }
0x129: {  	v53 =	vld [tilespmem:s7+$0xFFFFFF60];
	v11 =	vadd.f32 v33, v33;
	s8 =	sadd.f32 s8, s8;
	(v2sf) =	vpush v52, $0xF;
	[tilespmem:s31+$0xFFFFFFF0] =	vst v42  }
0x12a: {  	v42 =	vld [tilespmem:s7+$0xFFFFFF70];
	v6 =	vadd.f32 v51, v51;
	[tilespmem:s31+$0x0] =	vst v45;
	v45 =	vsub.f32 v12, v28;
	v12 =	vmov v30  }
0x12b: {  	v28 =	vadd.f32 v34, v49;
	v34 =	vadd.f32 v35, v37;
	v30 =	vld [tilespmem:s7+$0xFFFFFF80];
	p2 =	sgt.f32 s8, $1.000000000e+01;
	v35, _, _ =	vpop (xrf2);
	[tilespmem:s31+$0x10] =	vst v47  }
0x12c: {  	v33 =	vadd.f32 v51, v33;
	s8 =	simm.f32 $1.000000000e+00;
	v37 =	vld [tilespmem:s7+$0xFFFFFF90];
	v47 =	vadd.f32 v31, v41;
	[tilespmem:s31+$0x20] =	vst v36  }
0x12d: {  	v49 =	vadd.f32 v13, v13;
	v13 =	vmov v31;
	v36 =	vld [tilespmem:s7+$0xFFFFFFA0];
	s8 =	simm.s32 @!p2 $0x0;
	(v2sf) =	vpush v35, $0xF;
	[tilespmem:s31+$0x30] =	vst v44  }
0x12e: {  	v34 =	vadd.f32 v34, v28;
	v31 =	vld [tilespmem:s7+$0xFFFFFFB0];
	v33 =	vadd.f32 v47, v33;
	v28 =	vmov s8;
	[tilespmem:s31+$0x40] =	vst v38  }
0x12f: {  	v44 =	vadd.f32 v42, v53;
	v35 =	vld [tilespmem:s7+$0xFFFFFFC0];
	v38 =	vsub.f32 v49, v28;
	[tilespmem:s31+$0x50] =	vst v46  }
0x130: {  	v46 =	vadd.f32 v50, v50;
	s31 =	sadd.s32 $0x180, s31;
	v47 =	vld [tilespmem:s7+$0xFFFFFFD0];
	v33 =	vadd.f32 v33, v34;
	[tilespmem:s1+$0x60] =	vst v43  }
0x131: {  	v49 =	vadd.f32 v53, v53;
	v43 =	vadd.f32 v37, v30;
	v51 =	vld [tilespmem:s7+$0xFFFFFFE0];
	[tilespmem:s31+$0xB0] =	vst v38  }
0x132: {  	v52 =	vadd.f32 v42, v42;
	v53 =	vadd.f32 v30, v30;
	v30 =	vld [tilespmem:s7+$0xFFFFFFF0];
	(xrf2) =	vadd.scan.msk.f32 $0xffff, v33;
	[tilespmem:s1+$0x70] =	vst v32  }
0x133: {  	v54 =	vadd.f32 v37, v37;
	v32 =	vadd.f32 v31, v36;
	v38 =	vld [tilespmem:s7+$0x0];
	[tilespmem:s1+$0x80] =	vst v48  }
0x134: {  	v55 =	vadd.f32 v36, v36;
	v34 =	vadd.f32 v31, v31;
	v31 =	vld [tilespmem:s7+$0x10];
	[tilespmem:s1+$0x90] =	vst v39  }
0x135: {  	v43 =	vadd.f32 v32, v43;
	v42 =	vld [tilespmem:s7+$0x20];
	v32 =	vadd.f32 v47, v35;
	[tilespmem:s1+$0xA0] =	vst v45;
	s1 =	smov.u32 s31  }
0x136: {  	v39 =	vadd.f32 v35, v35;
	v37 =	vadd.f32 v47, v47;
	v45 =	vld [tilespmem:s7+$0x30]  }
0x137: {  	v35 =	vadd.f32 v51, v51;
	v47 =	vld [tilespmem:s7+$0xFFFFFF40];
	v48 =	vadd.f32 v30, v51  }
0x138: {  	v36 =	vadd.f32 v30, v30;
	v33 =	vadd.f32 v38, v38;
	s8 =	spop (v2sf)  }
0x139: {  	v30 =	vadd.f32 v31, v38;
	v48 =	vadd.f32 v48, v32;
	s8 =	sadd.f32 s8, s8  }
0x13a: {  	v38 =	vadd.f32 v31, v31;
	v32 =	vadd.f32 v42, v42  }
0x13b: {  	v42 =	vadd.f32 v45, v42;
	v31 =	vadd.f32 v45, v45;
	p2 =	sgt.f32 s8, $1.000000000e+01  }
0x13c: {  	s14 =	simm.f32 $1.000000000e+00;
	v45 =	vadd.f32 v50, v47;
	v47 =	vadd.f32 v47, v47;
	v50, _, _ =	vpop (xrf2);
	s8 =	spop (v2sf)  }
0x13d: {  	v42 =	vadd.f32 v42, v30;
	(v2sf) =	vpush v50, $0xF;
	s14 =	simm.s32 @!p2 $0x0;
	s8 =	sadd.f32 s8, s8  }
0x13e: {  	v30 =	vadd.f32 v41, v41;
	v44 =	vadd.f32 v44, v45;
	v50 =	vmov s14  }
.Ltmp2:
0x13f: {  	v42 =	vadd.f32 v42, v48;
	v41 =	vsub.f32 v29, v50;
	p2 =	sgt.f32 s8, $1.000000000e+01;
	v29 =	vmov v47;
	(pc) =	sbr.rel @p1 .LBB2_7-.Ltmp2, $4  }
0x140: {  	v51 =	vsub.f32 v14, v50;
	v14 =	vmov v46;
	s8 =	simm.f32 $1.000000000e+00;
	v43 =	vadd.f32 v43, v44  }
0x141: {  	v48 =	vsub.f32 v18, v50;
	v45 =	vsub.f32 v19, v50;
	v18 =	vmovc v49;
	v19 =	vmov v52;
	[tilespmem:s31+$0xFFFFFF40] =	vst v41;
	s8 =	simm.s32 @!p2 $0x0  }
0x142: {  	v47 =	vsub.f32 v15, v50;
	v15 =	vmovc v53;
	v44 =	vsub.f32 v24, v50;
	(xrf2) =	vadd.scan.msk.f32 $0xffff, v43;
	v41 =	vmov s8  }
0x143: {  	s7 =	sadd.s32 $0x180, s7;
	v46 =	vsub.f32 v16, v50;
	v16 =	vmovc v55;
	v24 =	vmov v54;
	v43 =	vsub.f32 v40, v50;
	[tilespmem:s31+$0xFFFFFF50] =	vst v51  }
0x144: {  	_ =	sdelay $0x3  }
0x145: {  	[tilespmem:s31+$0xFFFFFF60] =	vst v48  }
0x146: {  	[tilespmem:s31+$0xFFFFFF70] =	vst v45  }
0x147: {  	(xrf2) =	vadd.scan.msk.f32 $0xffff, v42;
	[tilespmem:s31+$0xFFFFFF80] =	vst v47  }
0x148: {  	[tilespmem:s31+$0xFFFFFF90] =	vst v44  }
0x149: {  	v17 =	vsub.f32 v17, v41;
	[tilespmem:s31+$0xFFFFFFA0] =	vst v46;
	v40, _, _ =	vpop (xrf2)  }
0x14a: {  	v25 =	vsub.f32 v25, v41;
	[tilespmem:s31+$0xFFFFFFB0] =	vst v43;
	(v2sf) =	vpush v40, $0xF  }
0x14b: {  	v23 =	vsub.f32 v23, v41;
	[tilespmem:s31+$0xFFFFFFC0] =	vst v17  }
0x14c: {  	v61 =	vsub.f32 v22, v41;
	[tilespmem:s31+$0xFFFFFFD0] =	vst v25  }
0x14d: {  	v20 =	vsub.f32 v20, v41;
	[tilespmem:s31+$0xFFFFFFE0] =	vst v23  }
0x14e: {  	v21 =	vsub.f32 v21, v41;
	[tilespmem:s31+$0xFFFFFFF0] =	vst v61  }
0x14f: {  	v62 =	vsub.f32 v26, v41;
	[tilespmem:s31+$0x0] =	vst v20  }
0x150: {  	v63 =	vsub.f32 v27, v41;
	[tilespmem:s31+$0x10] =	vst v21  }
0x151: {  	v9 =	vsub.f32 v9, v28;
	[tilespmem:s31+$0x20] =	vst v62;
	s0 =	spop (v2sf);
	v60, _, _ =	vpop (xrf2)  }
0x152: {  	v7 =	vsub.f32 v7, v28;
	[tilespmem:s31+$0x30] =	vst v63;
	s0 =	sadd.f32 s0, s0;
	(v2sf) =	vpush v60, $0xF  }
0x153: {  	v3 =	vsub.f32 v3, v28;
	[tilespmem:s31+$0x40] =	vst v9  }
0x154: {  	v1 =	vsub.f32 v1, v28;
	[tilespmem:s31+$0x50] =	vst v7;
	p1 =	sgt.f32 s0, $1.000000000e+01  }
0x155: {  	v0 =	vsub.f32 v0, v28;
	[tilespmem:s1+$0x60] =	vst v3;
	s0 =	simm.f32 $1.000000000e+00  }
0x156: {  	v13 =	vadd.f32 v13, v13;
	v27 =	vsub.f32 v10, v28;
	[tilespmem:s1+$0x70] =	vst v1;
	s0 =	simm.s32 @!p1 $0x0  }
0x157: {  	[tilespmem:s1+$0x80] =	vst v0;
	v40 =	vsub.f32 v12, v28;
	v25 =	vmov s0  }
0x158: {  	[tilespmem:s1+$0x90] =	vst v27;
	v26 =	vsub.f32 v13, v25  }
0x159: {  	s14 =	sadd.s32 $0x180, s31;
	[tilespmem:s1+$0xA0] =	vst v40;
	v57 =	vsub.f32 v2, v25;
	s7 =	spop (v2sf)  }
0x15a: {  	v58 =	vsub.f32 v4, v25;
	[tilespmem:s14+$0xB0] =	vst v26;
	s7 =	sadd.f32 s7, s7  }
0x15b: {  	v59 =	vsub.f32 v5, v25;
	[tilespmem:s14+$0x40] =	vst v57  }
0x15c: {  	v60 =	vsub.f32 v8, v25;
	[tilespmem:s14+$0x50] =	vst v58;
	p1 =	sgt.f32 s7, $1.000000000e+01  }
0x15d: {  	v61 =	vsub.f32 v11, v25;
	[tilespmem:s14+$0x60] =	vst v59;
	s7 =	simm.f32 $1.000000000e+00  }
0x15e: {  	v62 =	vsub.f32 v6, v25;
	[tilespmem:s14+$0x70] =	vst v60;
	s7 =	simm.s32 @!p1 $0x0  }
0x15f: {  	v63 =	vsub.f32 v30, v25;
	[tilespmem:s14+$0x80] =	vst v61;
	v41 =	vmov s7  }
0x160: {  	[tilespmem:s14+$0x90] =	vst v62;
	v42 =	vsub.f32 v29, v41  }
0x161: {  	[tilespmem:s14+$0xA0] =	vst v63;
	s31 =	spop (v2sf);
	v43 =	vsub.f32 v14, v41  }
0x162: {  	s1 =	sadd.f32 s31, s31;
	v44 =	vsub.f32 v18, v41;
	[tilespmem:s14+$0xFFFFFF40] =	vst v42  }
0x163: {  	v45 =	vsub.f32 v19, v41;
	[tilespmem:s14+$0xFFFFFF50] =	vst v43  }
0x164: {  	p1 =	sgt.f32 s1, $1.000000000e+01;
	v46 =	vsub.f32 v15, v41;
	[tilespmem:s14+$0xFFFFFF60] =	vst v44  }
0x165: {  	s1 =	simm.f32 $1.000000000e+00;
	v47 =	vsub.f32 v24, v41;
	[tilespmem:s14+$0xFFFFFF70] =	vst v45  }
0x166: {  	s1 =	simm.s32 @!p1 $0x0;
	v48 =	vsub.f32 v16, v41;
	[tilespmem:s14+$0xFFFFFF80] =	vst v46  }
0x167: {  	v0 =	vsub.f32 v34, v41;
	v49 =	vmov s1;
	[tilespmem:s14+$0xFFFFFF90] =	vst v47  }
0x168: {  	v50 =	vsub.f32 v39, v49;
	[tilespmem:s14+$0xFFFFFFA0] =	vst v48  }
0x169: {  	v51 =	vsub.f32 v37, v49;
	[tilespmem:s14+$0xFFFFFFB0] =	vst v0  }
0x16a: {  	v52 =	vsub.f32 v35, v49;
	[tilespmem:s14+$0xFFFFFFC0] =	vst v50  }
0x16b: {  	v53 =	vsub.f32 v36, v49;
	[tilespmem:s14+$0xFFFFFFD0] =	vst v51  }
0x16c: {  	v54 =	vsub.f32 v33, v49;
	[tilespmem:s14+$0xFFFFFFE0] =	vst v52  }
0x16d: {  	v55 =	vsub.f32 v38, v49;
	[tilespmem:s14+$0xFFFFFFF0] =	vst v53  }
0x16e: {  	v56 =	vsub.f32 v32, v49;
	[tilespmem:s14+$0x0] =	vst v54  }
0x16f: {  	v1 =	vsub.f32 v31, v49;
	[tilespmem:s14+$0x10] =	vst v55  }
0x170: {  	[tilespmem:s14+$0x20] =	vst v56  }
0x171: {  	s1 =	simm.s32 $0x0;
	[tilespmem:s14+$0x30] =	vst v1  }
.LBB2_9:
0x172: {  	s0 =	sshra.s32 s1, $0x2  }
0x173: {  	v0 =	vld [tilespmem:s0+$0x7F00]  }
0x174: {  	v1 =	vld [tilespmem:s0+$0x7F10]  }
0x175: {  	v2 =	vld [tilespmem:s0+$0x7F20]  }
0x176: {  	v3 =	vld [tilespmem:s0+$0x7F30]  }
0x177: {  	v4 =	vld [tilespmem:s0+$0x7F40]  }
0x178: {  	v5 =	vld [tilespmem:s0+$0x7F50]  }
0x179: {  	v6 =	vld [tilespmem:s0+$0x7F60]  }
0x17a: {  	v7 =	vld [tilespmem:s0+$0x7F70];
	_ =	sdelay $0x3  }
0x17b: {  	v8 =	vadd.f32 v1, v0;
	v9 =	vadd.f32 v3, v2  }
0x17c: {  	v10 =	vadd.f32 v5, v4;
	v11 =	vadd.f32 v7, v6;
	_ =	sdelay $0x1  }
0x17d: {  	v8 =	vadd.f32 v9, v8;
	v52 =	vadd.f32 v11, v10;
	_ =	sdelay $0x1  }
0x17e: {  	v8 =	vadd.f32 v52, v8;
	_ =	sdelay $0x1  }
0x17f: {  	(xrf2) =	vadd.scan.msk.f32 $0xffff, v8;
	_ =	sdelay $0x9  }
0x180: {  	v8, _, _ =	vpop (xrf2)  }
0x181: {  	(v2sf) =	vpush v8, $0xF;
	_ =	sdelay $0xe  }
0x182: {  	s7 =	spop (v2sf)  }
0x183: {  	s7 =	sadd.f32 s7, s7;
	_ =	sdelay $0x1  }
0x184: {  	p1 =	sgt.f32 s7, $1.000000000e+01  }
0x185: {  	s7 =	simm.f32 $1.000000000e+00  }
0x186: {  	v0 =	vadd.f32 v0, v0;
	s7 =	simm.s32 @!p1 $0x0  }
0x187: {  	v1 =	vadd.f32 v1, v1;
	v53 =	vmov s7  }
0x188: {  	v2 =	vadd.f32 v2, v2;
	v0 =	vsub.f32 v0, v53  }
0x189: {  	v3 =	vadd.f32 v3, v3;
	v1 =	vsub.f32 v1, v53  }
0x18a: {  	v55 =	vadd.f32 v4, v4;
	v54 =	vsub.f32 v2, v53;
	[tilespmem:s0+$0x13F00] =	vst v0  }
0x18b: {  	v57 =	vadd.f32 v5, v5;
	v56 =	vsub.f32 v3, v53;
	[tilespmem:s0+$0x13F10] =	vst v1  }
0x18c: {  	v59 =	vadd.f32 v6, v6;
	p1 =	sne.s32 s1, $0x200;
	v58 =	vsub.f32 v55, v53;
	[tilespmem:s0+$0x13F20] =	vst v54  }
.Ltmp3:
0x18d: {  	v61 =	vadd.f32 v7, v7;
	v60 =	vsub.f32 v57, v53;
	[tilespmem:s0+$0x13F30] =	vst v56;
	(pc) =	sbr.rel @p1 .LBB2_9-.Ltmp3, $4  }
0x18e: {  	v62 =	vsub.f32 v59, v53;
	[tilespmem:s0+$0x13F40] =	vst v58  }
0x18f: {  	v63 =	vsub.f32 v61, v53;
	[tilespmem:s0+$0x13F50] =	vst v60  }
0x190: {  	[tilespmem:s0+$0x13F60] =	vst v62  }
0x191: {  	s1 =	sadd.s32 $0x200, s1;
	[tilespmem:s0+$0x13F70] =	vst v63  }
0x192: {  	p1 =	sne.s32 s29, $0x14  }
.Ltmp4:
0x193: {  	_ = 	snop;
	(pc) =	sbr.rel @p1 .LBB2_12-.Ltmp4, $4  }
0x194: {  	s0 =	sadd.s32 s30, s10  }
0x195: {  	s0 =	sshrl.u32 s0, $0x3  }
0x196: {  	s0 =	sadd.s32 s3, s0  }
0x197: {  	[hbm4b:s0+s5] =	stream.linear.scatter [tilespmem:s21], [sflag:$0x5], $0x4000, $0x38;
	[tilespmem:$0x18000] =	vst v63  }
.Ltmp5:
0x198: {  	(pc) =	sbr.rel .LBB2_13-.Ltmp5, $4  }
0x199: {  	_ = 	snop  }
0x19a: {  	_ =	swait.ge [sflag:s22], $0x4000  }
0x19b: {  	[sflag:s22] =	ssyncset.done $0x0  }
0x19c: {  	[sflag:s22] =	ssyncadd.s32 $0xFFFFC000  }
.LBB2_12:
0x19d: {  	s0 =	sadd.s32 s30, s11  }
0x19e: {  	s0 =	sshrl.u32 s0, $0x3  }
.Ltmp6:
0x19f: {  	s0 =	sadd.s32 s2, s0;
	(pc) =	sbr.rel @p0 .LBB2_14-.Ltmp6, $4  }
0x1a0: {  	[tilespmem:s16], [sflag:$0x2] =	stream.linear.gather [hbm4b:s0+s5], $0x4000, $0x38;
	[tilespmem:$0x18000] =	vst v63  }
0x1a1: {  	_ =	swait.ge [sflag:s22], $0x4000  }
0x1a2: {  	[sflag:s22] =	ssyncset.done $0x0  }
0x1a3: {  	[sflag:s22] =	ssyncadd.s32 $0xFFFFC000  }
.LBB2_13:
0x1a4: {  	_ =	swait.ge [sflag:s23], $0x4000  }
0x1a5: {  	[sflag:s23] =	ssyncset.done $0x0  }
0x1a6: {  	[sflag:s23] =	ssyncadd.s32 $0xFFFFC000  }
.LBB2_14:
0x1a7: {  	s0 =	simm.s32 $0x80C0  }
0x1a8: {  	v0 =	vld [tilespmem:s0+$0x40]  }
0x1a9: {  	v1 =	vld [tilespmem:s0+$0x50]  }
0x1aa: {  	v2 =	vld [tilespmem:s0+$0x60]  }
0x1ab: {  	v4 =	vld [tilespmem:s0+$0x70]  }
0x1ac: {  	v5 =	vld [tilespmem:s0+$0x80]  }
0x1ad: {  	v6 =	vld [tilespmem:s0+$0x90]  }
0x1ae: {  	v8 =	vld [tilespmem:s0+$0xA0]  }
0x1af: {  	v14 =	vld [tilespmem:s0+$0xB0];
	_ =	sdelay $0x3  }
0x1b0: {  	v11 =	vld [tilespmem:s0+$0xFFFFFF50];
	v3 =	vadd.f32 v1, v0;
	v7 =	vadd.f32 v4, v2  }
0x1b1: {  	v12 =	vld [tilespmem:s0+$0xFFFFFF60];
	v9 =	vadd.f32 v6, v5;
	v10 =	vadd.f32 v14, v8  }
0x1b2: {  	v13 =	vld [tilespmem:s0+$0xFFFFFF70]  }
0x1b3: {  	v15 =	vld [tilespmem:s0+$0xFFFFFF80];
	v3 =	vadd.f32 v7, v3;
	v7 =	vadd.f32 v10, v9  }
0x1b4: {  	v16 =	vld [tilespmem:s0+$0xFFFFFF90]  }
0x1b5: {  	v17 =	vld [tilespmem:s0+$0xFFFFFFA0];
	v3 =	vadd.f32 v7, v3  }
0x1b6: {  	v18 =	vld [tilespmem:s0+$0xFFFFFFB0]  }
0x1b7: {  	v24 =	vld [tilespmem:s0+$0xFFFFFF40];
	(xrf2) =	vadd.scan.msk.f32 $0xffff, v3  }
0x1b8: {  	v19 =	vld [tilespmem:s0+$0xFFFFFFC0]  }
0x1b9: {  	v20 =	vld [tilespmem:s0+$0xFFFFFFD0]  }
0x1ba: {  	v21 =	vld [tilespmem:s0+$0xFFFFFFE0]  }
0x1bb: {  	v22 =	vld [tilespmem:s0+$0xFFFFFFF0];
	v23 =	vadd.f32 v13, v12  }
0x1bc: {  	v26 =	vld [tilespmem:s0+$0x0];
	v25 =	vadd.f32 v11, v24;
	v9 =	vadd.f32 v0, v0  }
0x1bd: {  	v27 =	vld [tilespmem:s0+$0x30];
	v0 =	vadd.f32 v5, v5;
	v5 =	vadd.f32 v16, v15  }
0x1be: {  	v7 =	vadd.f32 v1, v1;
	v1 =	vadd.f32 v4, v4;
	v4 =	vld [tilespmem:s0+$0x20]  }
0x1bf: {  	v10 =	vadd.f32 v18, v17;
	v3 =	vadd.f32 v2, v2;
	v2 =	vld [tilespmem:s0+$0x10]  }
0x1c0: {  	v40 =	vadd.f32 v11, v11;
	v41 =	vadd.f32 v12, v12  }
0x1c1: {  	s7 =	simm.s32 $0x8240;
	v5 =	vadd.f32 v10, v5;
	v10 =	vadd.f32 v23, v25;
	v28, _, _ =	vpop (xrf2)  }
0x1c2: {  	v30 =	vld [tilespmem:s7+$0xA0];
	v23 =	vadd.f32 v22, v21;
	(v2sf) =	vpush v28, $0xF  }
0x1c3: {  	v31 =	vld [tilespmem:s7+$0xFFFFFF70];
	v5 =	vadd.f32 v5, v10;
	v29 =	vadd.f32 v27, v4  }
0x1c4: {  	v32 =	vld [tilespmem:s7+$0xFFFFFF80];
	v25 =	vadd.f32 v2, v26;
	v28 =	vadd.f32 v20, v19  }
0x1c5: {  	v33 =	vld [tilespmem:s7+$0xFFFFFF90];
	v43 =	vadd.f32 v13, v13;
	v10 =	vadd.f32 v6, v6  }
0x1c6: {  	v35 =	vld [tilespmem:s7+$0xFFFFFFC0];
	v11 =	vadd.f32 v29, v25;
	(xrf2) =	vadd.scan.msk.f32 $0xffff, v5;
	v6 =	vadd.f32 v23, v28  }
0x1c7: {  	v36 =	vld [tilespmem:s7+$0xFFFFFFD0];
	v44 =	vadd.f32 v15, v15;
	v46 =	vadd.f32 v16, v16  }
0x1c8: {  	v49 =	vadd.f32 v17, v17;
	v15 =	vld [tilespmem:s7+$0x50];
	v5 =	vadd.f32 v11, v6  }
0x1c9: {  	v50 =	vadd.f32 v18, v18;
	v45 =	vadd.f32 v24, v24;
	v16 =	vld [tilespmem:s7+$0x60]  }
0x1ca: {  	v12 =	vadd.f32 v8, v8;
	v14 =	vadd.f32 v14, v14;
	v29 =	vld [tilespmem:s7+$0x90];
	(xrf2) =	vadd.scan.msk.f32 $0xffff, v5  }
0x1cb: {  	v37 =	vadd.f32 v33, v32;
	v17 =	vadd.f32 v19, v19;
	v19 =	vld [tilespmem:s7+$0x80]  }
0x1cc: {  	v62 =	vadd.f32 v36, v35;
	v39 =	vadd.f32 v35, v35;
	v18 =	vld [tilespmem:s7+$0x70]  }
0x1cd: {  	v25 =	vadd.f32 v20, v20;
	v20 =	vadd.f32 v26, v26;
	v28 =	vld [tilespmem:s7+$0x40]  }
0x1ce: {  	v13 =	vld [tilespmem:s7+$0xB0];
	v26 =	vadd.f32 v4, v4;
	v4 =	vadd.f32 v15, v15  }
0x1cf: {  	v38 =	vld [tilespmem:s7+$0xFFFFFFE0];
	v23 =	vadd.f32 v21, v21;
	v21 =	vadd.f32 v2, v2  }
0x1d0: {  	v51 =	vld [tilespmem:s7+$0xFFFFFFF0];
	v11 =	vadd.f32 v19, v19;
	v19 =	vadd.f32 v29, v19;
	v6, _, _ =	vpop (xrf2)  }
0x1d1: {  	v24 =	vld [tilespmem:s7+$0xFFFFFF60];
	v5 =	vadd.f32 v16, v16;
	s1 =	spop (v2sf);
	(v2sf) =	vpush v6, $0xF  }
0x1d2: {  	v16 =	vadd.f32 v18, v16;
	v15 =	vadd.f32 v15, v28  }
0x1d3: {  	v2 =	vadd.f32 v28, v28;
	v28 =	vadd.f32 v13, v30  }
0x1d4: {  	v52 =	vld [tilespmem:s7+$0x10];
	v8 =	vadd.f32 v18, v18;
	v15 =	vadd.f32 v16, v15;
	v18, _, _ =	vpop (xrf2)  }
0x1d5: {  	v16 =	vadd.f32 v28, v19;
	(v2sf) =	vpush v18, $0xF  }
0x1d6: {  	v34 =	vld [tilespmem:s7+$0xFFFFFFB0];
	v56 =	vadd.f32 v51, v38;
	v47 =	vadd.f32 v31, v24  }
0x1d7: {  	v19 =	vadd.f32 v31, v31;
	v31 =	vld [tilespmem:s7+$0x0];
	v16 =	vadd.f32 v16, v15  }
0x1d8: {  	v35 =	vadd.f32 v38, v38;
	v6 =	vadd.f32 v29, v29;
	v29 =	vld [tilespmem:s7+$0xFFFFFFA0]  }
0x1d9: {  	v38 =	vadd.f32 v52, v52;
	v56 =	vadd.f32 v56, v62;
	(xrf2) =	vadd.scan.msk.f32 $0xffff, v16  }
0x1da: {  	v54 =	vld [tilespmem:s7+$0x30];
	v22 =	vadd.f32 v22, v22;
	v27 =	vadd.f32 v27, v27;
	s1 =	sadd.f32 s1, s1  }
0x1db: {  	v42 =	vld [tilespmem:s7+$0xFFFFFF50];
	v30 =	vadd.f32 v30, v30;
	v15 =	vadd.f32 v32, v32  }
0x1dc: {  	v55 =	vld [tilespmem:s7+$0xFFFFFF40];
	v63 =	vadd.f32 v52, v31;
	v18 =	vadd.f32 v24, v24;
	p0 =	sgt.f32 s1, $1.000000000e+01  }
0x1dd: {  	s1 =	simm.f32 $1.000000000e+00;
	v61 =	vadd.f32 v34, v29;
	v16 =	vadd.f32 v29, v29;
	v29 =	vld [tilespmem:s7+$0x20]  }
0x1de: {  	v24 =	vadd.f32 v33, v33;
	v33 =	vadd.f32 v31, v31;
	s1 =	simm.s32 @!p0 $0x0  }
0x1df: {  	v31 =	vadd.f32 v54, v54;
	v34 =	vadd.f32 v34, v34;
	v28 =	vmov s1  }
0x1e0: {  	v48 =	vsub.f32 v14, v28;
	v14 =	vadd.f32 v42, v42;
	s8 =	spop (v2sf)  }
0x1e1: {  	v53 =	vadd.f32 v61, v37;
	v42 =	vadd.f32 v42, v55;
	s0 =	sadd.f32 s8, s8  }
0x1e2: {  	v37 =	vadd.f32 v36, v36;
	v60 =	vadd.f32 v54, v29  }
0x1e3: {  	v36 =	vadd.f32 v51, v51;
	v61, _, _ =	vpop (xrf2);
	v47 =	vadd.f32 v47, v42;
	p0 =	sgt.f32 s0, $1.000000000e+01  }
0x1e4: {  	v51 =	vadd.f32 v60, v63;
	(v2sf) =	vpush v61, $0xF;
	s14 =	spop (v2sf);
	s0 =	simm.f32 $1.000000000e+00  }
0x1e5: {  	v32 =	vadd.f32 v29, v29;
	v29 =	vadd.f32 v55, v55;
	s1 =	sadd.f32 s14, s14;
	s0 =	simm.s32 @!p0 $0x0  }
0x1e6: {  	v47 =	vadd.f32 v53, v47;
	v42 =	vadd.f32 v51, v56;
	v62 =	vmov s0  }
0x1e7: {  	s31 =	simm.s32 $0x140C0;
	p0 =	sgt.f32 s1, $1.000000000e+01;
	v63 =	vsub.f32 v45, v62;
	v40 =	vsub.f32 v40, v62  }
0x1e8: {  	[tilespmem:s31+$0xB0] =	vst v48;
	s1 =	simm.f32 $1.000000000e+00;
	v48 =	vsub.f32 v41, v62;
	v45 =	vsub.f32 v43, v62  }
0x1e9: {  	(xrf2) =	vadd.scan.msk.f32 $0xffff, v47;
	s1 =	simm.s32 @!p0 $0x0;
	v47 =	vsub.f32 v44, v62;
	v44 =	vsub.f32 v46, v62;
	[tilespmem:s31+$0xFFFFFF40] =	vst v63  }
0x1ea: {  	s7 =	simm.s32 $0x83C0;
	s0 =	simm.s32 $0x3;
	v46 =	vsub.f32 v49, v62;
	v43 =	vsub.f32 v50, v62;
	v41 =	vmov s1;
	s1 =	simm.s32 $0x140C0;
	[tilespmem:s31+$0xFFFFFF50] =	vst v40  }
.LBB2_15:
0x1eb: {  	v49 =	vld [tilespmem:s7+$0x40];
	[tilespmem:s31+$0xFFFFFF60] =	vst v48;
	v48 =	vsub.f32 v17, v41;
	v50 =	vsub.f32 v25, v41;
	v40 =	vmovc v34;
	v17 =	vmov v39  }
0x1ec: {  	v39 =	vsub.f32 v23, v41;
	v25 =	vmovc v37;
	v34 =	vld [tilespmem:s7+$0x50];
	(xrf2) =	vadd.scan.msk.f32 $0xffff, v42;
	[tilespmem:s31+$0xFFFFFF70] =	vst v45;
	v42 =	vsub.f32 v22, v41  }
0x1ed: {  	v23 =	vmovc v35;
	v45 =	vsub.f32 v20, v41;
	v22 =	vmov v36;
	v37 =	vld [tilespmem:s7+$0x60];
	[tilespmem:s31+$0xFFFFFF80] =	vst v47;
	v47 =	vsub.f32 v21, v41  }
0x1ee: {  	v36 =	vsub.f32 v26, v41;
	v20 =	vmovc v33;
	v21 =	vmov v38;
	v35 =	vld [tilespmem:s7+$0x70];
	[tilespmem:s31+$0xFFFFFF90] =	vst v44;
	v44 =	vsub.f32 v27, v41  }
0x1ef: {  	v38 =	vsub.f32 v9, v28;
	v9 =	vmovc v2;
	v33 =	vld [tilespmem:s7+$0x80];
	[tilespmem:s31+$0xFFFFFFA0] =	vst v46;
	v46 =	vsub.f32 v7, v28;
	v7 =	vmov v4  }
0x1f0: {  	v26 =	vmovc v32;
	v51 =	vld [tilespmem:s7+$0x90];
	v2 =	vadd.f32 v49, v49;
	[tilespmem:s31+$0xFFFFFFB0] =	vst v43;
	v43 =	vsub.f32 v3, v28;
	v3 =	vmov v5  }
0x1f1: {  	v32 =	vsub.f32 v1, v28;
	v1 =	vmovc v8;
	v27 =	vmov v31;
	v41 =	vld [tilespmem:s7+$0xA0];
	v4 =	vadd.f32 v34, v34;
	[tilespmem:s31+$0xFFFFFFC0] =	vst v48  }
0x1f2: {  	s0 =	sadd.s32 $0x3, s0;
	v48 =	vsub.f32 v0, v28;
	v0 =	vmov v11;
	v31 =	vld [tilespmem:s7+$0xB0];
	v5 =	vadd.f32 v37, v37;
	[tilespmem:s31+$0xFFFFFFD0] =	vst v50  }
0x1f3: {  	p0 =	slt.u32 s0, $0x7B;
	v50 =	vld [tilespmem:s7+$0xFFFFFF50];
	v8 =	vadd.f32 v35, v35;
	v52, _, _ =	vpop (xrf2);
	s8 =	spop (v2sf);
	[tilespmem:s31+$0xFFFFFFE0] =	vst v39;
	v39 =	vsub.f32 v10, v28;
	v10 =	vmov v6  }
0x1f4: {  	v53 =	vld [tilespmem:s7+$0xFFFFFF60];
	v11 =	vadd.f32 v33, v33;
	s8 =	sadd.f32 s8, s8;
	(v2sf) =	vpush v52, $0xF;
	[tilespmem:s31+$0xFFFFFFF0] =	vst v42  }
0x1f5: {  	v42 =	vld [tilespmem:s7+$0xFFFFFF70];
	v6 =	vadd.f32 v51, v51;
	[tilespmem:s31+$0x0] =	vst v45;
	v45 =	vsub.f32 v12, v28;
	v12 =	vmov v30  }
0x1f6: {  	v28 =	vadd.f32 v34, v49;
	v34 =	vadd.f32 v35, v37;
	v30 =	vld [tilespmem:s7+$0xFFFFFF80];
	p1 =	sgt.f32 s8, $1.000000000e+01;
	v35, _, _ =	vpop (xrf2);
	[tilespmem:s31+$0x10] =	vst v47  }
0x1f7: {  	v33 =	vadd.f32 v51, v33;
	s8 =	simm.f32 $1.000000000e+00;
	v37 =	vld [tilespmem:s7+$0xFFFFFF90];
	v47 =	vadd.f32 v31, v41;
	[tilespmem:s31+$0x20] =	vst v36  }
0x1f8: {  	v49 =	vadd.f32 v13, v13;
	v13 =	vmov v31;
	v36 =	vld [tilespmem:s7+$0xFFFFFFA0];
	s8 =	simm.s32 @!p1 $0x0;
	(v2sf) =	vpush v35, $0xF;
	[tilespmem:s31+$0x30] =	vst v44  }
0x1f9: {  	v34 =	vadd.f32 v34, v28;
	v31 =	vld [tilespmem:s7+$0xFFFFFFB0];
	v33 =	vadd.f32 v47, v33;
	v28 =	vmov s8;
	[tilespmem:s31+$0x40] =	vst v38  }
0x1fa: {  	v44 =	vadd.f32 v42, v53;
	v35 =	vld [tilespmem:s7+$0xFFFFFFC0];
	v38 =	vsub.f32 v49, v28;
	[tilespmem:s31+$0x50] =	vst v46  }
0x1fb: {  	v46 =	vadd.f32 v50, v50;
	s31 =	sadd.s32 $0x180, s31;
	v47 =	vld [tilespmem:s7+$0xFFFFFFD0];
	v33 =	vadd.f32 v33, v34;
	[tilespmem:s1+$0x60] =	vst v43  }
0x1fc: {  	v49 =	vadd.f32 v53, v53;
	v43 =	vadd.f32 v37, v30;
	v51 =	vld [tilespmem:s7+$0xFFFFFFE0];
	[tilespmem:s31+$0xB0] =	vst v38  }
0x1fd: {  	v52 =	vadd.f32 v42, v42;
	v53 =	vadd.f32 v30, v30;
	v30 =	vld [tilespmem:s7+$0xFFFFFFF0];
	(xrf2) =	vadd.scan.msk.f32 $0xffff, v33;
	[tilespmem:s1+$0x70] =	vst v32  }
0x1fe: {  	v54 =	vadd.f32 v37, v37;
	v32 =	vadd.f32 v31, v36;
	v38 =	vld [tilespmem:s7+$0x0];
	[tilespmem:s1+$0x80] =	vst v48  }
0x1ff: {  	v55 =	vadd.f32 v36, v36;
	v34 =	vadd.f32 v31, v31;
	v31 =	vld [tilespmem:s7+$0x10];
	[tilespmem:s1+$0x90] =	vst v39  }
0x200: {  	v43 =	vadd.f32 v32, v43;
	v42 =	vld [tilespmem:s7+$0x20];
	v32 =	vadd.f32 v47, v35;
	[tilespmem:s1+$0xA0] =	vst v45;
	s1 =	smov.u32 s31  }
0x201: {  	v39 =	vadd.f32 v35, v35;
	v37 =	vadd.f32 v47, v47;
	v45 =	vld [tilespmem:s7+$0x30]  }
0x202: {  	v35 =	vadd.f32 v51, v51;
	v47 =	vld [tilespmem:s7+$0xFFFFFF40];
	v48 =	vadd.f32 v30, v51  }
0x203: {  	v36 =	vadd.f32 v30, v30;
	v33 =	vadd.f32 v38, v38;
	s8 =	spop (v2sf)  }
0x204: {  	v30 =	vadd.f32 v31, v38;
	v48 =	vadd.f32 v48, v32;
	s8 =	sadd.f32 s8, s8  }
0x205: {  	v38 =	vadd.f32 v31, v31;
	v32 =	vadd.f32 v42, v42  }
0x206: {  	v42 =	vadd.f32 v45, v42;
	v31 =	vadd.f32 v45, v45;
	p1 =	sgt.f32 s8, $1.000000000e+01  }
0x207: {  	s14 =	simm.f32 $1.000000000e+00;
	v45 =	vadd.f32 v50, v47;
	v47 =	vadd.f32 v47, v47;
	v50, _, _ =	vpop (xrf2);
	s8 =	spop (v2sf)  }
0x208: {  	v42 =	vadd.f32 v42, v30;
	(v2sf) =	vpush v50, $0xF;
	s14 =	simm.s32 @!p1 $0x0;
	s8 =	sadd.f32 s8, s8  }
0x209: {  	v30 =	vadd.f32 v41, v41;
	v44 =	vadd.f32 v44, v45;
	v50 =	vmov s14  }
.Ltmp7:
0x20a: {  	v42 =	vadd.f32 v42, v48;
	v41 =	vsub.f32 v29, v50;
	p1 =	sgt.f32 s8, $1.000000000e+01;
	v29 =	vmov v47;
	(pc) =	sbr.rel @p0 .LBB2_15-.Ltmp7, $4  }
0x20b: {  	v51 =	vsub.f32 v14, v50;
	v14 =	vmov v46;
	s8 =	simm.f32 $1.000000000e+00;
	v43 =	vadd.f32 v43, v44  }
0x20c: {  	v48 =	vsub.f32 v18, v50;
	v45 =	vsub.f32 v19, v50;
	v18 =	vmovc v49;
	v19 =	vmov v52;
	[tilespmem:s31+$0xFFFFFF40] =	vst v41;
	s8 =	simm.s32 @!p1 $0x0  }
0x20d: {  	v47 =	vsub.f32 v15, v50;
	v15 =	vmovc v53;
	v44 =	vsub.f32 v24, v50;
	(xrf2) =	vadd.scan.msk.f32 $0xffff, v43;
	v41 =	vmov s8  }
0x20e: {  	s7 =	sadd.s32 $0x180, s7;
	v46 =	vsub.f32 v16, v50;
	v16 =	vmovc v55;
	v24 =	vmov v54;
	v43 =	vsub.f32 v40, v50;
	[tilespmem:s31+$0xFFFFFF50] =	vst v51  }
0x20f: {  	_ =	sdelay $0x3  }
0x210: {  	[tilespmem:s31+$0xFFFFFF60] =	vst v48  }
0x211: {  	[tilespmem:s31+$0xFFFFFF70] =	vst v45  }
0x212: {  	(xrf2) =	vadd.scan.msk.f32 $0xffff, v42;
	[tilespmem:s31+$0xFFFFFF80] =	vst v47  }
0x213: {  	[tilespmem:s31+$0xFFFFFF90] =	vst v44  }
0x214: {  	v17 =	vsub.f32 v17, v41;
	[tilespmem:s31+$0xFFFFFFA0] =	vst v46;
	v40, _, _ =	vpop (xrf2)  }
0x215: {  	v25 =	vsub.f32 v25, v41;
	[tilespmem:s31+$0xFFFFFFB0] =	vst v43;
	(v2sf) =	vpush v40, $0xF  }
0x216: {  	v23 =	vsub.f32 v23, v41;
	[tilespmem:s31+$0xFFFFFFC0] =	vst v17  }
0x217: {  	v61 =	vsub.f32 v22, v41;
	[tilespmem:s31+$0xFFFFFFD0] =	vst v25  }
0x218: {  	v20 =	vsub.f32 v20, v41;
	[tilespmem:s31+$0xFFFFFFE0] =	vst v23  }
0x219: {  	v21 =	vsub.f32 v21, v41;
	[tilespmem:s31+$0xFFFFFFF0] =	vst v61  }
0x21a: {  	v62 =	vsub.f32 v26, v41;
	[tilespmem:s31+$0x0] =	vst v20  }
0x21b: {  	v63 =	vsub.f32 v27, v41;
	[tilespmem:s31+$0x10] =	vst v21  }
0x21c: {  	v9 =	vsub.f32 v9, v28;
	[tilespmem:s31+$0x20] =	vst v62;
	s0 =	spop (v2sf);
	v60, _, _ =	vpop (xrf2)  }
0x21d: {  	v7 =	vsub.f32 v7, v28;
	[tilespmem:s31+$0x30] =	vst v63;
	s0 =	sadd.f32 s0, s0;
	(v2sf) =	vpush v60, $0xF  }
0x21e: {  	v3 =	vsub.f32 v3, v28;
	[tilespmem:s31+$0x40] =	vst v9  }
0x21f: {  	v1 =	vsub.f32 v1, v28;
	[tilespmem:s31+$0x50] =	vst v7;
	p0 =	sgt.f32 s0, $1.000000000e+01  }
0x220: {  	v0 =	vsub.f32 v0, v28;
	[tilespmem:s1+$0x60] =	vst v3;
	s0 =	simm.f32 $1.000000000e+00  }
0x221: {  	v13 =	vadd.f32 v13, v13;
	v27 =	vsub.f32 v10, v28;
	[tilespmem:s1+$0x70] =	vst v1;
	s0 =	simm.s32 @!p0 $0x0  }
0x222: {  	[tilespmem:s1+$0x80] =	vst v0;
	v40 =	vsub.f32 v12, v28;
	v25 =	vmov s0  }
0x223: {  	[tilespmem:s1+$0x90] =	vst v27;
	v26 =	vsub.f32 v13, v25  }
0x224: {  	s14 =	sadd.s32 $0x180, s31;
	[tilespmem:s1+$0xA0] =	vst v40;
	v57 =	vsub.f32 v2, v25;
	s7 =	spop (v2sf)  }
0x225: {  	v58 =	vsub.f32 v4, v25;
	[tilespmem:s14+$0xB0] =	vst v26;
	s7 =	sadd.f32 s7, s7  }
0x226: {  	v59 =	vsub.f32 v5, v25;
	[tilespmem:s14+$0x40] =	vst v57  }
0x227: {  	v60 =	vsub.f32 v8, v25;
	[tilespmem:s14+$0x50] =	vst v58;
	p0 =	sgt.f32 s7, $1.000000000e+01  }
0x228: {  	v61 =	vsub.f32 v11, v25;
	[tilespmem:s14+$0x60] =	vst v59;
	s7 =	simm.f32 $1.000000000e+00  }
0x229: {  	v62 =	vsub.f32 v6, v25;
	[tilespmem:s14+$0x70] =	vst v60;
	s7 =	simm.s32 @!p0 $0x0  }
0x22a: {  	v63 =	vsub.f32 v30, v25;
	[tilespmem:s14+$0x80] =	vst v61;
	v41 =	vmov s7  }
0x22b: {  	[tilespmem:s14+$0x90] =	vst v62;
	v42 =	vsub.f32 v29, v41  }
0x22c: {  	[tilespmem:s14+$0xA0] =	vst v63;
	s31 =	spop (v2sf);
	v43 =	vsub.f32 v14, v41  }
0x22d: {  	s1 =	sadd.f32 s31, s31;
	v44 =	vsub.f32 v18, v41;
	[tilespmem:s14+$0xFFFFFF40] =	vst v42  }
0x22e: {  	v45 =	vsub.f32 v19, v41;
	[tilespmem:s14+$0xFFFFFF50] =	vst v43  }
0x22f: {  	p0 =	sgt.f32 s1, $1.000000000e+01;
	v46 =	vsub.f32 v15, v41;
	[tilespmem:s14+$0xFFFFFF60] =	vst v44  }
0x230: {  	s1 =	simm.f32 $1.000000000e+00;
	v47 =	vsub.f32 v24, v41;
	[tilespmem:s14+$0xFFFFFF70] =	vst v45  }
0x231: {  	s1 =	simm.s32 @!p0 $0x0;
	v48 =	vsub.f32 v16, v41;
	[tilespmem:s14+$0xFFFFFF80] =	vst v46  }
0x232: {  	v0 =	vsub.f32 v34, v41;
	v49 =	vmov s1;
	[tilespmem:s14+$0xFFFFFF90] =	vst v47  }
0x233: {  	v50 =	vsub.f32 v39, v49;
	[tilespmem:s14+$0xFFFFFFA0] =	vst v48  }
0x234: {  	v51 =	vsub.f32 v37, v49;
	[tilespmem:s14+$0xFFFFFFB0] =	vst v0  }
0x235: {  	v52 =	vsub.f32 v35, v49;
	[tilespmem:s14+$0xFFFFFFC0] =	vst v50  }
0x236: {  	v53 =	vsub.f32 v36, v49;
	[tilespmem:s14+$0xFFFFFFD0] =	vst v51  }
0x237: {  	v54 =	vsub.f32 v33, v49;
	[tilespmem:s14+$0xFFFFFFE0] =	vst v52  }
0x238: {  	v55 =	vsub.f32 v38, v49;
	[tilespmem:s14+$0xFFFFFFF0] =	vst v53  }
0x239: {  	v56 =	vsub.f32 v32, v49;
	[tilespmem:s14+$0x0] =	vst v54  }
0x23a: {  	v1 =	vsub.f32 v31, v49;
	[tilespmem:s14+$0x10] =	vst v55  }
0x23b: {  	[tilespmem:s14+$0x20] =	vst v56  }
0x23c: {  	s1 =	simm.s32 $0x0;
	[tilespmem:s14+$0x30] =	vst v1  }
.LBB2_17:
0x23d: {  	s0 =	sshra.s32 s1, $0x2  }
0x23e: {  	v0 =	vld [tilespmem:s0+$0xBF00]  }
0x23f: {  	v1 =	vld [tilespmem:s0+$0xBF10]  }
0x240: {  	v2 =	vld [tilespmem:s0+$0xBF20]  }
0x241: {  	v3 =	vld [tilespmem:s0+$0xBF30]  }
0x242: {  	v4 =	vld [tilespmem:s0+$0xBF40]  }
0x243: {  	v5 =	vld [tilespmem:s0+$0xBF50]  }
0x244: {  	v6 =	vld [tilespmem:s0+$0xBF60]  }
0x245: {  	v7 =	vld [tilespmem:s0+$0xBF70];
	_ =	sdelay $0x3  }
0x246: {  	v8 =	vadd.f32 v1, v0;
	v9 =	vadd.f32 v3, v2  }
0x247: {  	v10 =	vadd.f32 v5, v4;
	v11 =	vadd.f32 v7, v6;
	_ =	sdelay $0x1  }
0x248: {  	v8 =	vadd.f32 v9, v8;
	v52 =	vadd.f32 v11, v10;
	_ =	sdelay $0x1  }
0x249: {  	v8 =	vadd.f32 v52, v8;
	_ =	sdelay $0x1  }
0x24a: {  	(xrf2) =	vadd.scan.msk.f32 $0xffff, v8;
	_ =	sdelay $0x9  }
0x24b: {  	v8, _, _ =	vpop (xrf2)  }
0x24c: {  	(v2sf) =	vpush v8, $0xF;
	_ =	sdelay $0xe  }
0x24d: {  	s7 =	spop (v2sf)  }
0x24e: {  	s7 =	sadd.f32 s7, s7;
	_ =	sdelay $0x1  }
0x24f: {  	p0 =	sgt.f32 s7, $1.000000000e+01  }
0x250: {  	s7 =	simm.f32 $1.000000000e+00  }
0x251: {  	v0 =	vadd.f32 v0, v0;
	s7 =	simm.s32 @!p0 $0x0  }
0x252: {  	v1 =	vadd.f32 v1, v1;
	v53 =	vmov s7  }
0x253: {  	v2 =	vadd.f32 v2, v2;
	v0 =	vsub.f32 v0, v53  }
0x254: {  	v3 =	vadd.f32 v3, v3;
	v1 =	vsub.f32 v1, v53  }
0x255: {  	v55 =	vadd.f32 v4, v4;
	v54 =	vsub.f32 v2, v53;
	[tilespmem:s0+$0x17F00] =	vst v0  }
0x256: {  	v57 =	vadd.f32 v5, v5;
	v56 =	vsub.f32 v3, v53;
	[tilespmem:s0+$0x17F10] =	vst v1  }
0x257: {  	v59 =	vadd.f32 v6, v6;
	p0 =	sne.s32 s1, $0x200;
	v58 =	vsub.f32 v55, v53;
	[tilespmem:s0+$0x17F20] =	vst v54  }
.Ltmp8:
0x258: {  	v61 =	vadd.f32 v7, v7;
	v60 =	vsub.f32 v57, v53;
	[tilespmem:s0+$0x17F30] =	vst v56;
	(pc) =	sbr.rel @p0 .LBB2_17-.Ltmp8, $4  }
0x259: {  	v62 =	vsub.f32 v59, v53;
	[tilespmem:s0+$0x17F40] =	vst v58  }
0x25a: {  	v63 =	vsub.f32 v61, v53;
	[tilespmem:s0+$0x17F50] =	vst v60  }
0x25b: {  	[tilespmem:s0+$0x17F60] =	vst v62  }
0x25c: {  	s1 =	sadd.s32 $0x200, s1;
	[tilespmem:s0+$0x17F70] =	vst v63  }
0x25d: {  	p0 =	seq.s32 s29, $0x14  }
.Ltmp9:
0x25e: {  	_ = 	snop;
	(pc) =	sbr.rel @p0 .LBB2_20-.Ltmp9, $4  }
0x25f: {  	s0 =	sadd.s32 s30, s12  }
0x260: {  	s0 =	sshrl.u32 s0, $0x3  }
0x261: {  	s0 =	sadd.s32 s3, s0  }
0x262: {  	[hbm4b:s0+s5] =	stream.linear.scatter [tilespmem:s24], [sflag:$0x6], $0x4000, $0x38;
	[tilespmem:$0x18000] =	vst v63  }
.Ltmp10:
0x263: {  	(pc) =	sbr.rel .LBB2_2-.Ltmp10, $4  }
0x264: {  	s0 =	sadd.s32 s30, s13  }
0x265: {  	s0 =	sshrl.u32 s0, $0x3  }
0x266: {  	s29 =	sadd.s32 $0x1, s29;
	s0 =	sadd.s32 s2, s0  }
0x267: {  	[tilespmem:s17], [sflag:$0x3] =	stream.linear.gather [hbm4b:s0+s5], $0x4000, $0x38;
	[tilespmem:$0x18000] =	vst v63  }
.LBB2_20:
0x268: {  	_ =	swait.ge [sflag:s18], $0x4000  }
0x269: {  	[sflag:s18] =	ssyncset.done $0x0  }
0x26a: {  	[sflag:s18] =	ssyncadd.s32 $0xFFFFC000  }
0x26b: {  	_ =	swait.ge [sflag:s25], $0x4000  }
0x26c: {  	[sflag:s25] =	ssyncset.done $0x0  }
0x26d: {  	s0 =	simm.s32 $0xC0;
	[sflag:s25] =	ssyncadd.s32 $0xFFFFC000  }
0x26e: {  	v0 =	vld [tilespmem:s0+$0x40]  }
0x26f: {  	v1 =	vld [tilespmem:s0+$0x50]  }
0x270: {  	v2 =	vld [tilespmem:s0+$0x60]  }
0x271: {  	v4 =	vld [tilespmem:s0+$0x70]  }
0x272: {  	v5 =	vld [tilespmem:s0+$0x80]  }
0x273: {  	v6 =	vld [tilespmem:s0+$0x90]  }
0x274: {  	v8 =	vld [tilespmem:s0+$0xA0]  }
0x275: {  	v14 =	vld [tilespmem:s0+$0xB0];
	_ =	sdelay $0x3  }
0x276: {  	v11 =	vld [tilespmem:s0+$0xFFFFFF50];
	v3 =	vadd.f32 v1, v0;
	v7 =	vadd.f32 v4, v2  }
0x277: {  	v12 =	vld [tilespmem:s0+$0xFFFFFF60];
	v9 =	vadd.f32 v6, v5;
	v10 =	vadd.f32 v14, v8  }
0x278: {  	v13 =	vld [tilespmem:s0+$0xFFFFFF70]  }
0x279: {  	v15 =	vld [tilespmem:s0+$0xFFFFFF80];
	v3 =	vadd.f32 v7, v3;
	v7 =	vadd.f32 v10, v9  }
0x27a: {  	v16 =	vld [tilespmem:s0+$0xFFFFFF90]  }
0x27b: {  	v17 =	vld [tilespmem:s0+$0xFFFFFFA0];
	v3 =	vadd.f32 v7, v3  }
0x27c: {  	v18 =	vld [tilespmem:s0+$0xFFFFFFB0]  }
0x27d: {  	v24 =	vld [tilespmem:s0+$0xFFFFFF40];
	(xrf2) =	vadd.scan.msk.f32 $0xffff, v3  }
0x27e: {  	v19 =	vld [tilespmem:s0+$0xFFFFFFC0]  }
0x27f: {  	v20 =	vld [tilespmem:s0+$0xFFFFFFD0]  }
0x280: {  	v21 =	vld [tilespmem:s0+$0xFFFFFFE0]  }
0x281: {  	v22 =	vld [tilespmem:s0+$0xFFFFFFF0];
	v23 =	vadd.f32 v13, v12  }
0x282: {  	v26 =	vld [tilespmem:s0+$0x0];
	v25 =	vadd.f32 v11, v24;
	v9 =	vadd.f32 v0, v0  }
0x283: {  	v27 =	vld [tilespmem:s0+$0x30];
	v0 =	vadd.f32 v5, v5;
	v5 =	vadd.f32 v16, v15  }
0x284: {  	v7 =	vadd.f32 v1, v1;
	v1 =	vadd.f32 v4, v4;
	v4 =	vld [tilespmem:s0+$0x20]  }
0x285: {  	v10 =	vadd.f32 v18, v17;
	v3 =	vadd.f32 v2, v2;
	v2 =	vld [tilespmem:s0+$0x10]  }
0x286: {  	v40 =	vadd.f32 v11, v11;
	v41 =	vadd.f32 v12, v12  }
0x287: {  	s14 =	simm.s32 $0x240;
	v5 =	vadd.f32 v10, v5;
	v10 =	vadd.f32 v23, v25;
	v28, _, _ =	vpop (xrf2)  }
0x288: {  	v30 =	vld [tilespmem:s14+$0xA0];
	v23 =	vadd.f32 v22, v21;
	(v2sf) =	vpush v28, $0xF  }
0x289: {  	v31 =	vld [tilespmem:s14+$0xFFFFFF70];
	v5 =	vadd.f32 v5, v10;
	v29 =	vadd.f32 v27, v4  }
0x28a: {  	v32 =	vld [tilespmem:s14+$0xFFFFFF80];
	v25 =	vadd.f32 v2, v26;
	v28 =	vadd.f32 v20, v19  }
0x28b: {  	v33 =	vld [tilespmem:s14+$0xFFFFFF90];
	v43 =	vadd.f32 v13, v13;
	v10 =	vadd.f32 v6, v6  }
0x28c: {  	v35 =	vld [tilespmem:s14+$0xFFFFFFC0];
	v11 =	vadd.f32 v29, v25;
	(xrf2) =	vadd.scan.msk.f32 $0xffff, v5;
	v6 =	vadd.f32 v23, v28  }
0x28d: {  	v36 =	vld [tilespmem:s14+$0xFFFFFFD0];
	v44 =	vadd.f32 v15, v15;
	v46 =	vadd.f32 v16, v16  }
0x28e: {  	v49 =	vadd.f32 v17, v17;
	v15 =	vld [tilespmem:s14+$0x50];
	v5 =	vadd.f32 v11, v6  }
0x28f: {  	v50 =	vadd.f32 v18, v18;
	v45 =	vadd.f32 v24, v24;
	v16 =	vld [tilespmem:s14+$0x60]  }
0x290: {  	v12 =	vadd.f32 v8, v8;
	v14 =	vadd.f32 v14, v14;
	v29 =	vld [tilespmem:s14+$0x90];
	(xrf2) =	vadd.scan.msk.f32 $0xffff, v5  }
0x291: {  	v37 =	vadd.f32 v33, v32;
	v17 =	vadd.f32 v19, v19;
	v19 =	vld [tilespmem:s14+$0x80]  }
0x292: {  	v62 =	vadd.f32 v36, v35;
	v39 =	vadd.f32 v35, v35;
	v18 =	vld [tilespmem:s14+$0x70]  }
0x293: {  	v25 =	vadd.f32 v20, v20;
	v20 =	vadd.f32 v26, v26;
	v28 =	vld [tilespmem:s14+$0x40]  }
0x294: {  	v13 =	vld [tilespmem:s14+$0xB0];
	v26 =	vadd.f32 v4, v4;
	v4 =	vadd.f32 v15, v15  }
0x295: {  	v38 =	vld [tilespmem:s14+$0xFFFFFFE0];
	v23 =	vadd.f32 v21, v21;
	v21 =	vadd.f32 v2, v2  }
0x296: {  	v51 =	vld [tilespmem:s14+$0xFFFFFFF0];
	v11 =	vadd.f32 v19, v19;
	v19 =	vadd.f32 v29, v19;
	v6, _, _ =	vpop (xrf2)  }
0x297: {  	v24 =	vld [tilespmem:s14+$0xFFFFFF60];
	v5 =	vadd.f32 v16, v16;
	s1 =	spop (v2sf);
	(v2sf) =	vpush v6, $0xF  }
0x298: {  	v16 =	vadd.f32 v18, v16;
	v15 =	vadd.f32 v15, v28  }
0x299: {  	v2 =	vadd.f32 v28, v28;
	v28 =	vadd.f32 v13, v30  }
0x29a: {  	v52 =	vld [tilespmem:s14+$0x10];
	v8 =	vadd.f32 v18, v18;
	v15 =	vadd.f32 v16, v15;
	v18, _, _ =	vpop (xrf2)  }
0x29b: {  	v16 =	vadd.f32 v28, v19;
	(v2sf) =	vpush v18, $0xF  }
0x29c: {  	v34 =	vld [tilespmem:s14+$0xFFFFFFB0];
	v56 =	vadd.f32 v51, v38;
	v47 =	vadd.f32 v31, v24  }
0x29d: {  	v19 =	vadd.f32 v31, v31;
	v31 =	vld [tilespmem:s14+$0x0];
	v16 =	vadd.f32 v16, v15  }
0x29e: {  	v35 =	vadd.f32 v38, v38;
	v6 =	vadd.f32 v29, v29;
	v29 =	vld [tilespmem:s14+$0xFFFFFFA0]  }
0x29f: {  	v38 =	vadd.f32 v52, v52;
	v56 =	vadd.f32 v56, v62;
	(xrf2) =	vadd.scan.msk.f32 $0xffff, v16  }
0x2a0: {  	v54 =	vld [tilespmem:s14+$0x30];
	v22 =	vadd.f32 v22, v22;
	v27 =	vadd.f32 v27, v27;
	s1 =	sadd.f32 s1, s1  }
0x2a1: {  	v42 =	vld [tilespmem:s14+$0xFFFFFF50];
	v30 =	vadd.f32 v30, v30;
	v15 =	vadd.f32 v32, v32  }
0x2a2: {  	v55 =	vld [tilespmem:s14+$0xFFFFFF40];
	v63 =	vadd.f32 v52, v31;
	v18 =	vadd.f32 v24, v24;
	p0 =	sgt.f32 s1, $1.000000000e+01  }
0x2a3: {  	s1 =	simm.f32 $1.000000000e+00;
	v61 =	vadd.f32 v34, v29;
	v16 =	vadd.f32 v29, v29;
	v29 =	vld [tilespmem:s14+$0x20]  }
0x2a4: {  	v24 =	vadd.f32 v33, v33;
	v33 =	vadd.f32 v31, v31;
	s1 =	simm.s32 @!p0 $0x0  }
0x2a5: {  	v31 =	vadd.f32 v54, v54;
	v34 =	vadd.f32 v34, v34;
	v28 =	vmov s1  }
0x2a6: {  	v48 =	vsub.f32 v14, v28;
	v14 =	vadd.f32 v42, v42;
	s30 =	spop (v2sf)  }
0x2a7: {  	v53 =	vadd.f32 v61, v37;
	v42 =	vadd.f32 v42, v55;
	s0 =	sadd.f32 s30, s30  }
0x2a8: {  	v37 =	vadd.f32 v36, v36;
	v60 =	vadd.f32 v54, v29  }
0x2a9: {  	v36 =	vadd.f32 v51, v51;
	v61, _, _ =	vpop (xrf2);
	v47 =	vadd.f32 v47, v42;
	p0 =	sgt.f32 s0, $1.000000000e+01  }
0x2aa: {  	v51 =	vadd.f32 v60, v63;
	(v2sf) =	vpush v61, $0xF;
	s31 =	spop (v2sf);
	s0 =	simm.f32 $1.000000000e+00  }
0x2ab: {  	v32 =	vadd.f32 v29, v29;
	v29 =	vadd.f32 v55, v55;
	s1 =	sadd.f32 s31, s31;
	s0 =	simm.s32 @!p0 $0x0  }
0x2ac: {  	v47 =	vadd.f32 v53, v47;
	v42 =	vadd.f32 v51, v56;
	v62 =	vmov s0  }
0x2ad: {  	s29 =	simm.s32 $0xC0C0;
	p0 =	sgt.f32 s1, $1.000000000e+01;
	v63 =	vsub.f32 v45, v62;
	v40 =	vsub.f32 v40, v62  }
0x2ae: {  	[tilespmem:s29+$0xB0] =	vst v48;
	s1 =	simm.f32 $1.000000000e+00;
	v48 =	vsub.f32 v41, v62;
	v45 =	vsub.f32 v43, v62  }
0x2af: {  	(xrf2) =	vadd.scan.msk.f32 $0xffff, v47;
	s1 =	simm.s32 @!p0 $0x0;
	v47 =	vsub.f32 v44, v62;
	v44 =	vsub.f32 v46, v62;
	[tilespmem:s29+$0xFFFFFF40] =	vst v63  }
0x2b0: {  	s7 =	simm.s32 $0x3C0;
	s0 =	simm.s32 $0x3;
	v46 =	vsub.f32 v49, v62;
	v43 =	vsub.f32 v50, v62;
	v41 =	vmov s1;
	s1 =	simm.s32 $0xC0C0;
	[tilespmem:s29+$0xFFFFFF50] =	vst v40  }
.LBB2_21:
0x2b1: {  	v49 =	vld [tilespmem:s7+$0x40];
	[tilespmem:s29+$0xFFFFFF60] =	vst v48;
	v48 =	vsub.f32 v17, v41;
	v50 =	vsub.f32 v25, v41;
	v40 =	vmovc v34;
	v17 =	vmov v39  }
0x2b2: {  	v39 =	vsub.f32 v23, v41;
	v25 =	vmovc v37;
	v34 =	vld [tilespmem:s7+$0x50];
	(xrf2) =	vadd.scan.msk.f32 $0xffff, v42;
	[tilespmem:s29+$0xFFFFFF70] =	vst v45;
	v42 =	vsub.f32 v22, v41  }
0x2b3: {  	v23 =	vmovc v35;
	v45 =	vsub.f32 v20, v41;
	v22 =	vmov v36;
	v37 =	vld [tilespmem:s7+$0x60];
	[tilespmem:s29+$0xFFFFFF80] =	vst v47;
	v47 =	vsub.f32 v21, v41  }
0x2b4: {  	v36 =	vsub.f32 v26, v41;
	v20 =	vmovc v33;
	v21 =	vmov v38;
	v35 =	vld [tilespmem:s7+$0x70];
	[tilespmem:s29+$0xFFFFFF90] =	vst v44;
	v44 =	vsub.f32 v27, v41  }
0x2b5: {  	v38 =	vsub.f32 v9, v28;
	v9 =	vmovc v2;
	v33 =	vld [tilespmem:s7+$0x80];
	[tilespmem:s29+$0xFFFFFFA0] =	vst v46;
	v46 =	vsub.f32 v7, v28;
	v7 =	vmov v4  }
0x2b6: {  	v26 =	vmovc v32;
	v51 =	vld [tilespmem:s7+$0x90];
	v2 =	vadd.f32 v49, v49;
	[tilespmem:s29+$0xFFFFFFB0] =	vst v43;
	v43 =	vsub.f32 v3, v28;
	v3 =	vmov v5  }
0x2b7: {  	v32 =	vsub.f32 v1, v28;
	v1 =	vmovc v8;
	v27 =	vmov v31;
	v41 =	vld [tilespmem:s7+$0xA0];
	v4 =	vadd.f32 v34, v34;
	[tilespmem:s29+$0xFFFFFFC0] =	vst v48  }
0x2b8: {  	s0 =	sadd.s32 $0x3, s0;
	v48 =	vsub.f32 v0, v28;
	v0 =	vmov v11;
	v31 =	vld [tilespmem:s7+$0xB0];
	v5 =	vadd.f32 v37, v37;
	[tilespmem:s29+$0xFFFFFFD0] =	vst v50  }
0x2b9: {  	p0 =	slt.u32 s0, $0x7B;
	v50 =	vld [tilespmem:s7+$0xFFFFFF50];
	v8 =	vadd.f32 v35, v35;
	v52, _, _ =	vpop (xrf2);
	s8 =	spop (v2sf);
	[tilespmem:s29+$0xFFFFFFE0] =	vst v39;
	v39 =	vsub.f32 v10, v28;
	v10 =	vmov v6  }
0x2ba: {  	v53 =	vld [tilespmem:s7+$0xFFFFFF60];
	v11 =	vadd.f32 v33, v33;
	s8 =	sadd.f32 s8, s8;
	(v2sf) =	vpush v52, $0xF;
	[tilespmem:s29+$0xFFFFFFF0] =	vst v42  }
0x2bb: {  	v42 =	vld [tilespmem:s7+$0xFFFFFF70];
	v6 =	vadd.f32 v51, v51;
	[tilespmem:s29+$0x0] =	vst v45;
	v45 =	vsub.f32 v12, v28;
	v12 =	vmov v30  }
0x2bc: {  	v28 =	vadd.f32 v34, v49;
	v34 =	vadd.f32 v35, v37;
	v30 =	vld [tilespmem:s7+$0xFFFFFF80];
	p1 =	sgt.f32 s8, $1.000000000e+01;
	v35, _, _ =	vpop (xrf2);
	[tilespmem:s29+$0x10] =	vst v47  }
0x2bd: {  	v33 =	vadd.f32 v51, v33;
	s8 =	simm.f32 $1.000000000e+00;
	v37 =	vld [tilespmem:s7+$0xFFFFFF90];
	v47 =	vadd.f32 v31, v41;
	[tilespmem:s29+$0x20] =	vst v36  }
0x2be: {  	v49 =	vadd.f32 v13, v13;
	v13 =	vmov v31;
	v36 =	vld [tilespmem:s7+$0xFFFFFFA0];
	s8 =	simm.s32 @!p1 $0x0;
	(v2sf) =	vpush v35, $0xF;
	[tilespmem:s29+$0x30] =	vst v44  }
0x2bf: {  	v34 =	vadd.f32 v34, v28;
	v31 =	vld [tilespmem:s7+$0xFFFFFFB0];
	v33 =	vadd.f32 v47, v33;
	v28 =	vmov s8;
	[tilespmem:s29+$0x40] =	vst v38  }
0x2c0: {  	v44 =	vadd.f32 v42, v53;
	v35 =	vld [tilespmem:s7+$0xFFFFFFC0];
	v38 =	vsub.f32 v49, v28;
	[tilespmem:s29+$0x50] =	vst v46  }
0x2c1: {  	v46 =	vadd.f32 v50, v50;
	s29 =	sadd.s32 $0x180, s29;
	v47 =	vld [tilespmem:s7+$0xFFFFFFD0];
	v33 =	vadd.f32 v33, v34;
	[tilespmem:s1+$0x60] =	vst v43  }
0x2c2: {  	v49 =	vadd.f32 v53, v53;
	v43 =	vadd.f32 v37, v30;
	v51 =	vld [tilespmem:s7+$0xFFFFFFE0];
	[tilespmem:s29+$0xB0] =	vst v38  }
0x2c3: {  	v52 =	vadd.f32 v42, v42;
	v53 =	vadd.f32 v30, v30;
	v30 =	vld [tilespmem:s7+$0xFFFFFFF0];
	(xrf2) =	vadd.scan.msk.f32 $0xffff, v33;
	[tilespmem:s1+$0x70] =	vst v32  }
0x2c4: {  	v54 =	vadd.f32 v37, v37;
	v32 =	vadd.f32 v31, v36;
	v38 =	vld [tilespmem:s7+$0x0];
	[tilespmem:s1+$0x80] =	vst v48  }
0x2c5: {  	v55 =	vadd.f32 v36, v36;
	v34 =	vadd.f32 v31, v31;
	v31 =	vld [tilespmem:s7+$0x10];
	[tilespmem:s1+$0x90] =	vst v39  }
0x2c6: {  	v43 =	vadd.f32 v32, v43;
	v42 =	vld [tilespmem:s7+$0x20];
	v32 =	vadd.f32 v47, v35;
	[tilespmem:s1+$0xA0] =	vst v45;
	s1 =	smov.u32 s29  }
0x2c7: {  	v39 =	vadd.f32 v35, v35;
	v37 =	vadd.f32 v47, v47;
	v45 =	vld [tilespmem:s7+$0x30]  }
0x2c8: {  	v35 =	vadd.f32 v51, v51;
	v47 =	vld [tilespmem:s7+$0xFFFFFF40];
	v48 =	vadd.f32 v30, v51  }
0x2c9: {  	v36 =	vadd.f32 v30, v30;
	v33 =	vadd.f32 v38, v38;
	s8 =	spop (v2sf)  }
0x2ca: {  	v30 =	vadd.f32 v31, v38;
	v48 =	vadd.f32 v48, v32;
	s8 =	sadd.f32 s8, s8  }
0x2cb: {  	v38 =	vadd.f32 v31, v31;
	v32 =	vadd.f32 v42, v42  }
0x2cc: {  	v42 =	vadd.f32 v45, v42;
	v31 =	vadd.f32 v45, v45;
	p1 =	sgt.f32 s8, $1.000000000e+01  }
0x2cd: {  	s14 =	simm.f32 $1.000000000e+00;
	v45 =	vadd.f32 v50, v47;
	v47 =	vadd.f32 v47, v47;
	v50, _, _ =	vpop (xrf2);
	s8 =	spop (v2sf)  }
0x2ce: {  	v42 =	vadd.f32 v42, v30;
	(v2sf) =	vpush v50, $0xF;
	s14 =	simm.s32 @!p1 $0x0;
	s8 =	sadd.f32 s8, s8  }
0x2cf: {  	v30 =	vadd.f32 v41, v41;
	v44 =	vadd.f32 v44, v45;
	v50 =	vmov s14  }
.Ltmp11:
0x2d0: {  	v42 =	vadd.f32 v42, v48;
	v41 =	vsub.f32 v29, v50;
	p1 =	sgt.f32 s8, $1.000000000e+01;
	v29 =	vmov v47;
	(pc) =	sbr.rel @p0 .LBB2_21-.Ltmp11, $4  }
0x2d1: {  	v51 =	vsub.f32 v14, v50;
	v14 =	vmov v46;
	s8 =	simm.f32 $1.000000000e+00;
	v43 =	vadd.f32 v43, v44  }
0x2d2: {  	v48 =	vsub.f32 v18, v50;
	v45 =	vsub.f32 v19, v50;
	v18 =	vmovc v49;
	v19 =	vmov v52;
	[tilespmem:s29+$0xFFFFFF40] =	vst v41;
	s8 =	simm.s32 @!p1 $0x0  }
0x2d3: {  	v47 =	vsub.f32 v15, v50;
	v15 =	vmovc v53;
	v44 =	vsub.f32 v24, v50;
	(xrf2) =	vadd.scan.msk.f32 $0xffff, v43;
	v41 =	vmov s8  }
0x2d4: {  	s7 =	sadd.s32 $0x180, s7;
	v46 =	vsub.f32 v16, v50;
	v16 =	vmovc v55;
	v24 =	vmov v54;
	v43 =	vsub.f32 v40, v50;
	[tilespmem:s29+$0xFFFFFF50] =	vst v51  }
0x2d5: {  	_ =	sdelay $0x3  }
0x2d6: {  	[tilespmem:s29+$0xFFFFFF60] =	vst v48  }
0x2d7: {  	[tilespmem:s29+$0xFFFFFF70] =	vst v45  }
0x2d8: {  	(xrf2) =	vadd.scan.msk.f32 $0xffff, v42;
	[tilespmem:s29+$0xFFFFFF80] =	vst v47  }
0x2d9: {  	[tilespmem:s29+$0xFFFFFF90] =	vst v44  }
0x2da: {  	v17 =	vsub.f32 v17, v41;
	[tilespmem:s29+$0xFFFFFFA0] =	vst v46;
	v40, _, _ =	vpop (xrf2)  }
0x2db: {  	v25 =	vsub.f32 v25, v41;
	[tilespmem:s29+$0xFFFFFFB0] =	vst v43;
	(v2sf) =	vpush v40, $0xF  }
0x2dc: {  	v23 =	vsub.f32 v23, v41;
	[tilespmem:s29+$0xFFFFFFC0] =	vst v17  }
0x2dd: {  	v61 =	vsub.f32 v22, v41;
	[tilespmem:s29+$0xFFFFFFD0] =	vst v25  }
0x2de: {  	v20 =	vsub.f32 v20, v41;
	[tilespmem:s29+$0xFFFFFFE0] =	vst v23  }
0x2df: {  	v21 =	vsub.f32 v21, v41;
	[tilespmem:s29+$0xFFFFFFF0] =	vst v61  }
0x2e0: {  	v62 =	vsub.f32 v26, v41;
	[tilespmem:s29+$0x0] =	vst v20  }
0x2e1: {  	v63 =	vsub.f32 v27, v41;
	[tilespmem:s29+$0x10] =	vst v21  }
0x2e2: {  	v9 =	vsub.f32 v9, v28;
	[tilespmem:s29+$0x20] =	vst v62;
	s0 =	spop (v2sf);
	v60, _, _ =	vpop (xrf2)  }
0x2e3: {  	v7 =	vsub.f32 v7, v28;
	[tilespmem:s29+$0x30] =	vst v63;
	s0 =	sadd.f32 s0, s0;
	(v2sf) =	vpush v60, $0xF  }
0x2e4: {  	v3 =	vsub.f32 v3, v28;
	[tilespmem:s29+$0x40] =	vst v9  }
0x2e5: {  	v1 =	vsub.f32 v1, v28;
	[tilespmem:s29+$0x50] =	vst v7;
	p0 =	sgt.f32 s0, $1.000000000e+01  }
0x2e6: {  	v0 =	vsub.f32 v0, v28;
	[tilespmem:s1+$0x60] =	vst v3;
	s0 =	simm.f32 $1.000000000e+00  }
0x2e7: {  	v13 =	vadd.f32 v13, v13;
	v27 =	vsub.f32 v10, v28;
	[tilespmem:s1+$0x70] =	vst v1;
	s0 =	simm.s32 @!p0 $0x0  }
0x2e8: {  	[tilespmem:s1+$0x80] =	vst v0;
	v40 =	vsub.f32 v12, v28;
	v25 =	vmov s0  }
0x2e9: {  	[tilespmem:s1+$0x90] =	vst v27;
	v26 =	vsub.f32 v13, v25  }
0x2ea: {  	s30 =	sadd.s32 $0x180, s29;
	[tilespmem:s1+$0xA0] =	vst v40;
	v57 =	vsub.f32 v2, v25;
	s7 =	spop (v2sf)  }
0x2eb: {  	v58 =	vsub.f32 v4, v25;
	[tilespmem:s30+$0xB0] =	vst v26;
	s7 =	sadd.f32 s7, s7  }
0x2ec: {  	v59 =	vsub.f32 v5, v25;
	[tilespmem:s30+$0x40] =	vst v57  }
0x2ed: {  	v60 =	vsub.f32 v8, v25;
	[tilespmem:s30+$0x50] =	vst v58;
	p0 =	sgt.f32 s7, $1.000000000e+01  }
0x2ee: {  	v61 =	vsub.f32 v11, v25;
	[tilespmem:s30+$0x60] =	vst v59;
	s7 =	simm.f32 $1.000000000e+00  }
0x2ef: {  	v62 =	vsub.f32 v6, v25;
	[tilespmem:s30+$0x70] =	vst v60;
	s7 =	simm.s32 @!p0 $0x0  }
0x2f0: {  	v63 =	vsub.f32 v30, v25;
	[tilespmem:s30+$0x80] =	vst v61;
	v41 =	vmov s7  }
0x2f1: {  	[tilespmem:s30+$0x90] =	vst v62;
	v42 =	vsub.f32 v29, v41  }
0x2f2: {  	[tilespmem:s30+$0xA0] =	vst v63;
	s31 =	spop (v2sf);
	v43 =	vsub.f32 v14, v41  }
0x2f3: {  	s1 =	sadd.f32 s31, s31;
	v44 =	vsub.f32 v18, v41;
	[tilespmem:s30+$0xFFFFFF40] =	vst v42  }
0x2f4: {  	v45 =	vsub.f32 v19, v41;
	[tilespmem:s30+$0xFFFFFF50] =	vst v43  }
0x2f5: {  	p0 =	sgt.f32 s1, $1.000000000e+01;
	v46 =	vsub.f32 v15, v41;
	[tilespmem:s30+$0xFFFFFF60] =	vst v44  }
0x2f6: {  	s1 =	simm.f32 $1.000000000e+00;
	v47 =	vsub.f32 v24, v41;
	[tilespmem:s30+$0xFFFFFF70] =	vst v45  }
0x2f7: {  	s1 =	simm.s32 @!p0 $0x0;
	v48 =	vsub.f32 v16, v41;
	[tilespmem:s30+$0xFFFFFF80] =	vst v46  }
0x2f8: {  	v0 =	vsub.f32 v34, v41;
	v49 =	vmov s1;
	[tilespmem:s30+$0xFFFFFF90] =	vst v47  }
0x2f9: {  	v50 =	vsub.f32 v39, v49;
	[tilespmem:s30+$0xFFFFFFA0] =	vst v48  }
0x2fa: {  	v51 =	vsub.f32 v37, v49;
	[tilespmem:s30+$0xFFFFFFB0] =	vst v0  }
0x2fb: {  	v52 =	vsub.f32 v35, v49;
	[tilespmem:s30+$0xFFFFFFC0] =	vst v50  }
0x2fc: {  	v53 =	vsub.f32 v36, v49;
	[tilespmem:s30+$0xFFFFFFD0] =	vst v51  }
0x2fd: {  	v54 =	vsub.f32 v33, v49;
	[tilespmem:s30+$0xFFFFFFE0] =	vst v52  }
0x2fe: {  	v55 =	vsub.f32 v38, v49;
	[tilespmem:s30+$0xFFFFFFF0] =	vst v53  }
0x2ff: {  	v56 =	vsub.f32 v32, v49;
	[tilespmem:s30+$0x0] =	vst v54  }
0x300: {  	v1 =	vsub.f32 v31, v49;
	[tilespmem:s30+$0x10] =	vst v55  }
0x301: {  	[tilespmem:s30+$0x20] =	vst v56  }
0x302: {  	s1 =	simm.s32 $0x0;
	[tilespmem:s30+$0x30] =	vst v1  }
.LBB2_23:
0x303: {  	s0 =	sshra.s32 s1, $0x2  }
0x304: {  	v0 =	vld [tilespmem:s0+$0x3F00]  }
0x305: {  	v1 =	vld [tilespmem:s0+$0x3F10]  }
0x306: {  	v2 =	vld [tilespmem:s0+$0x3F20]  }
0x307: {  	v3 =	vld [tilespmem:s0+$0x3F30]  }
0x308: {  	v4 =	vld [tilespmem:s0+$0x3F40]  }
0x309: {  	v5 =	vld [tilespmem:s0+$0x3F50]  }
0x30a: {  	v6 =	vld [tilespmem:s0+$0x3F60]  }
0x30b: {  	v7 =	vld [tilespmem:s0+$0x3F70];
	_ =	sdelay $0x3  }
0x30c: {  	v8 =	vadd.f32 v1, v0;
	v9 =	vadd.f32 v3, v2  }
0x30d: {  	v10 =	vadd.f32 v5, v4;
	v11 =	vadd.f32 v7, v6;
	_ =	sdelay $0x1  }
0x30e: {  	v8 =	vadd.f32 v9, v8;
	v52 =	vadd.f32 v11, v10;
	_ =	sdelay $0x1  }
0x30f: {  	v8 =	vadd.f32 v52, v8;
	_ =	sdelay $0x1  }
0x310: {  	(xrf2) =	vadd.scan.msk.f32 $0xffff, v8;
	_ =	sdelay $0x9  }
0x311: {  	v8, _, _ =	vpop (xrf2)  }
0x312: {  	(v2sf) =	vpush v8, $0xF;
	_ =	sdelay $0xe  }
0x313: {  	s7 =	spop (v2sf)  }
0x314: {  	s7 =	sadd.f32 s7, s7;
	_ =	sdelay $0x1  }
0x315: {  	p0 =	sgt.f32 s7, $1.000000000e+01  }
0x316: {  	s7 =	simm.f32 $1.000000000e+00  }
0x317: {  	v0 =	vadd.f32 v0, v0;
	s7 =	simm.s32 @!p0 $0x0  }
0x318: {  	v1 =	vadd.f32 v1, v1;
	v53 =	vmov s7  }
0x319: {  	v2 =	vadd.f32 v2, v2;
	v0 =	vsub.f32 v0, v53  }
0x31a: {  	v3 =	vadd.f32 v3, v3;
	v1 =	vsub.f32 v1, v53  }
0x31b: {  	v55 =	vadd.f32 v4, v4;
	v54 =	vsub.f32 v2, v53;
	[tilespmem:s0+$0xFF00] =	vst v0  }
0x31c: {  	v57 =	vadd.f32 v5, v5;
	v56 =	vsub.f32 v3, v53;
	[tilespmem:s0+$0xFF10] =	vst v1  }
0x31d: {  	v59 =	vadd.f32 v6, v6;
	p0 =	sne.s32 s1, $0x200;
	v58 =	vsub.f32 v55, v53;
	[tilespmem:s0+$0xFF20] =	vst v54  }
.Ltmp12:
0x31e: {  	v61 =	vadd.f32 v7, v7;
	v60 =	vsub.f32 v57, v53;
	[tilespmem:s0+$0xFF30] =	vst v56;
	(pc) =	sbr.rel @p0 .LBB2_23-.Ltmp12, $4  }
0x31f: {  	v62 =	vsub.f32 v59, v53;
	[tilespmem:s0+$0xFF40] =	vst v58  }
0x320: {  	v63 =	vsub.f32 v61, v53;
	[tilespmem:s0+$0xFF50] =	vst v60  }
0x321: {  	[tilespmem:s0+$0xFF60] =	vst v62  }
0x322: {  	s1 =	sadd.s32 $0x200, s1;
	[tilespmem:s0+$0xFF70] =	vst v63  }
0x323: {  	s0 =	rddreg [dreg:$0x5]  }
0x324: {  	[hbm4b:s0+s5] =	stream.linear.scatter [tilespmem:s19], [sflag:$0x4], $0x4000, $0x38;
	[tilespmem:$0x18000] =	vst v63  }
0x325: {  	_ =	swait.ge [sflag:s26], $0x4000  }
0x326: {  	[sflag:s26] =	ssyncset.done $0x0  }
0x327: {  	s28 =	sadd.s32 $0x1, s28;
	[sflag:s26] =	ssyncadd.s32 $0xFFFFC000  }
0x328: {  	p0 =	sne.s32 s28, s15;
	_ =	swait.ge [sflag:s23], $0x4000  }
.Ltmp13:
0x329: {  	[sflag:s23] =	ssyncset.done $0x0;
	(pc) =	sbr.rel @p0 .LBB2_1-.Ltmp13, $4  }
0x32a: {  	[sflag:s23] =	ssyncadd.s32 $0xFFFFC000  }
0x32b: {  	_ =	swait.ge [sflag:s25], $0x4000  }
0x32c: {  	[sflag:s25] =	ssyncset.done $0x0  }
0x32d: {  	[sflag:s25] =	ssyncadd.s32 $0xFFFFC000  }
0x32e: {  	_ =	sfence.sel $0x180000  }
0x32f: {  	[bflag:$0x0] =	sbarrier.arrive $0xFFFF  }
0x330: {  	_ =	strace $0x90000047  }
0x331: {  	s0 =	stileid.u32;
	[bflag:$0x2] =	sbarrier.arrive $0xFFFF  }
0x332: {  	p0 =	sne.s32 s0, $0x0;
	s0 =	rddreg [dreg:$0x2]  }
0x333: {  	s0 =	sadd.s32 @!p0 $0x100000, s0  }
0x334: {  	[sflag:s0] =	ssyncadd.tile.s32 @!p0 $0x1;
	_ =	shalt  }
.Lfunc_end2:
_tile_overlayer_lowered:
.L_overlay_start_2:
0x335: {  	(tag) =	ssettag $0x2  }
0x336: {  	s0 =	rddreg [dreg:$0x0];
	s2 =	stileid.u32  }
0x337: {  	s1 =	rddreg [dreg:$0x1];
	p0 =	sne.s32 s2, $0x0  }
0x338: {  	s3 =	rddreg [dreg:$0x2];
	[bflag:$0x3] =	sbarrier.arrive $0xFFFF;
	s2 =	simm.s32 @!p0 $0x1C07  }
0x339: {  	[timem:s3], [sflag:s2] =	dma.local @!p0 [hbm:s0], s1  }
0x33a: {  	s0 =	simm.s32 @!p0 $0x7  }
0x33b: {  	_ =	swait.ge @!p0 [sflag:s0], s1  }
0x33c: {  	s1 =	ssub.s32 @!p0 $0x0, s1;
	[sflag:s0] =	ssyncset.done @!p0 $0x0  }
0x33d: {  	[sflag:s0] =	ssyncadd.s32 @!p0 s1  }
0x33e: {  	[bflag:$0x3] =	sbarrier.arrive $0xFFFF  }
0x33f: {  	_ =	shalt  }

</sc_bundles>
